<compile_context>
chip_gen: v7x
topology: tpu7x:2x2x1
jax: 0.10.2.dev20260603
libtpu: 0.0.44.dev20260713+nightly
codegen_flags: <defaults>
</compile_context>

<pallas_src>
import functools

import jax
import jax.numpy as jnp
from jax import lax
from jax.experimental import pallas as pl
from jax.experimental.pallas import tpu as pltpu
from jax.experimental.pallas import tpu_sc as plsc

NC = 2
NS = 16
NW = NC * NS
L = 16
CHUNK = 128
PROP_SPLIT = (63, 17)
RING = 16
DEPTH = 8


def _sc_mesh():
    return plsc.VectorSubcoreMesh(core_axis_name="c", subcore_axis_name="s")


@functools.lru_cache(maxsize=None)
def _make_deg_kernel(total_chunks: int, n_acc: int, n_exp: int):
    zrows = n_acc // NS
    k_tile = total_chunks // NW

    @functools.partial(
        pl.kernel,
        mesh=_sc_mesh(),
        out_type=jax.ShapeDtypeStruct((NC, n_exp, L), jnp.float32),
        compiler_params=pltpu.CompilerParams(use_tc_tiling_on_sc=False),
        scratch_types=[
            pltpu.VMEM((k_tile, CHUNK), jnp.int32),
            pltpu.VMEM((CHUNK, L), jnp.float32),
            pltpu.VMEM((zrows, L), jnp.float32),
            pltpu.VMEM_SHARED((n_acc, L), jnp.float32),
            pltpu.SemaphoreType.DMA,
        ],
    )
    def deg_kernel(dst_hbm, out_hbm, idx_v, ones_v, zeros_v, acc_sh, sem):
        cid = lax.axis_index("c")
        sid = lax.axis_index("s")
        wid = cid * NS + sid

        def fill_ones(i, carry):
            ones_v[i, :] = jnp.full((L,), 1.0, jnp.float32)
            return carry

        lax.fori_loop(0, CHUNK, fill_ones, 0)

        def fill_zeros(i, carry):
            zeros_v[i, :] = jnp.zeros((L,), jnp.float32)
            return carry

        lax.fori_loop(0, zrows, fill_zeros, 0)

        pltpu.sync_copy(zeros_v, acc_sh.at[pl.ds(sid * zrows, zrows)])
        plsc.subcore_barrier()

        pltpu.sync_copy(dst_hbm.at[pl.ds(wid * k_tile, k_tile)], idx_v)

        def fire(j, carry):
            pltpu.async_copy(ones_v, acc_sh.at[idx_v.at[j]], sem, add=True)
            return carry

        lax.fori_loop(0, k_tile, fire, 0)

        def drain(j, carry):
            pltpu.make_async_copy(ones_v, acc_sh.at[idx_v.at[j]], sem).wait()
            return carry

        lax.fori_loop(0, k_tile, drain, 0)
        plsc.subcore_barrier()

        @pl.when(sid == 0)
        def _():
            pltpu.sync_copy(acc_sh.at[pl.ds(0, n_exp)], out_hbm.at[cid])

    return deg_kernel


@functools.lru_cache(maxsize=None)
def _make_prop_kernel(total_chunks: int, n_acc: int, n: int):
    zrows = n_acc // NS
    k0, k1 = PROP_SPLIT
    assert NS * (k0 + k1) == total_chunks

    @functools.partial(
        pl.kernel,
        mesh=_sc_mesh(),
        out_type=jax.ShapeDtypeStruct((NC, n, L), jnp.float32),
        compiler_params=pltpu.CompilerParams(use_tc_tiling_on_sc=False),
        scratch_types=[
            pltpu.VMEM((max(k0, k1), CHUNK), jnp.int32),
            pltpu.VMEM((max(k0, k1), CHUNK), jnp.int32),
            pltpu.VMEM((RING, CHUNK, L), jnp.float32),
            pltpu.VMEM((zrows, L), jnp.float32),
            pltpu.VMEM_SHARED((n_acc, L), jnp.float32),
            pltpu.SemaphoreType.DMA,
            pltpu.SemaphoreType.DMA,
        ],
    )
    def prop_kernel(z_hbm, src_hbm, dst_hbm, s_hbm,
                    src_v, dst_v, rows_v, zeros_v, acc_sh, sem_g, sem_s):
        cid = lax.axis_index("c")
        sid = lax.axis_index("s")

        def fill_zeros(i, carry):
            zeros_v[i, :] = jnp.zeros((L,), jnp.float32)
            return carry

        lax.fori_loop(0, zrows, fill_zeros, 0)
        pltpu.sync_copy(zeros_v, acc_sh.at[pl.ds(sid * zrows, zrows)])
        plsc.subcore_barrier()

        def run(k, base):
            pltpu.sync_copy(src_hbm.at[pl.ds(base, k)], src_v.at[pl.ds(0, k)])
            pltpu.sync_copy(dst_hbm.at[pl.ds(base, k)], dst_v.at[pl.ds(0, k)])

            def fire0(j, carry):
                @pl.when(j < k)
                def _():
                    pltpu.async_copy(
                        z_hbm.at[src_v.at[j]], rows_v.at[j & (RING - 1)], sem_g)
                return carry

            lax.fori_loop(0, RING - DEPTH, fire0, 0)

            def main(j, carry):
                b = j & (RING - 1)
                pltpu.make_async_copy(
                    z_hbm.at[src_v.at[j]], rows_v.at[b], sem_g).wait()
                pltpu.async_copy(
                    rows_v.at[b], acc_sh.at[dst_v.at[j]], sem_s, add=True)

                @pl.when(j >= DEPTH)
                def _():
                    jd = j - DEPTH
                    pltpu.make_async_copy(
                        rows_v.at[jd & (RING - 1)],
                        acc_sh.at[dst_v.at[jd]], sem_s).wait()

                jn = j + (RING - DEPTH)

                @pl.when(jn < k)
                def _():
                    pltpu.async_copy(
                        z_hbm.at[src_v.at[jn]],
                        rows_v.at[jn & (RING - 1)], sem_g)

                return carry

            lax.fori_loop(0, k, main, 0)

            def tail(j, carry):
                pltpu.make_async_copy(
                    rows_v.at[j & (RING - 1)],
                    acc_sh.at[dst_v.at[j]], sem_s).wait()
                return carry

            lax.fori_loop(max(k - DEPTH, 0), k, tail, 0)

        @pl.when(cid == 0)
        def _():
            run(k0, sid * k0)

        if k1 > 0:
            @pl.when(cid == 1)
            def _():
                run(k1, NS * k0 + sid * k1)

        plsc.subcore_barrier()

        @pl.when(sid == 0)
        def _():
            pltpu.sync_copy(acc_sh.at[pl.ds(0, n)], s_hbm.at[cid])

    return prop_kernel


def _mm_body(x_ref, w_ref, d0_ref, d1_ref, z_ref):
    dis = lax.rsqrt(d0_ref[0] + d1_ref[0] + 1.0)
    y = jnp.dot(x_ref[...], w_ref[...], preferred_element_type=jnp.float32)
    z_ref[...] = y * dis


def _final_body(s0_ref, s1_ref, d0_ref, d1_ref, z_ref, b_ref, g_ref, o_ref):
    dis = lax.rsqrt(d0_ref[0] + d1_ref[0] + 1.0)
    logits = (s0_ref[0] + s1_ref[0]) * dis + z_ref[...] * dis + b_ref[...]
    col = lax.broadcasted_iota(jnp.int32, logits.shape, 1)
    lm = jnp.where((col & 15) < 7, logits, -jnp.inf)
    m = jnp.max(lm)
    ex = jnp.exp(lm - m)
    gsum = jnp.dot(ex, g_ref[...], preferred_element_type=jnp.float32)
    o_ref[...] = lm - m - jnp.log(gsum)


def kernel(x, edge_index, W, b):
    n = x.shape[0]
    d_feat = x.shape[1]
    n_edges = edge_index.shape[1]
    n_classes = W.shape[0]
    assert n % NS == 0 and (n // 8) % 2 == 0

    e_pad = -(-n_edges // (NW * CHUNK)) * (NW * CHUNK)
    pad = e_pad - n_edges
    total_chunks = e_pad // CHUNK
    src_r = jnp.concatenate(
        [edge_index[0], jnp.zeros((pad,), edge_index.dtype)]).reshape(total_chunks, CHUNK)
    dst_r = jnp.concatenate(
        [edge_index[1],
         n + jnp.arange(max(pad, 1), dtype=edge_index.dtype)[:pad] % NS]
    ).reshape(total_chunks, CHUNK)

    n_acc = -(-(n + NS) // NS) * NS

    deg2 = _make_deg_kernel(total_chunks, n_acc, n)(dst_r)

    w_t = jnp.zeros((L, d_feat), W.dtype).at[:n_classes].set(W).T
    blk = 5000
    acc_spec0 = pl.BlockSpec((1, blk, L), lambda i: (0, i, 0))
    acc_spec1 = pl.BlockSpec((1, blk, L), lambda i: (1, i, 0))
    z = pl.pallas_call(
        _mm_body,
        grid=(n // blk,),
        in_specs=[
            pl.BlockSpec((blk, d_feat), lambda i: (i, 0)),
            pl.BlockSpec((d_feat, L), lambda i: (0, 0)),
            acc_spec0,
            acc_spec1,
        ],
        out_specs=pl.BlockSpec((blk, L), lambda i: (i, 0)),
        out_shape=jax.ShapeDtypeStruct((n, L), jnp.float32),
    )(x, w_t, deg2, deg2)

    s2 = _make_prop_kernel(total_chunks, n_acc, n)(z, src_r, dst_r)

    p = n // 8
    s2p = s2.reshape(2, p, 128)
    d2p = deg2.reshape(2, p, 128)
    zp = z.reshape(p, 128)
    b_pack = jnp.tile(jnp.zeros((1, L), jnp.float32).at[0, :n_classes].set(b),
                      (1, 8))
    ii = jnp.arange(128) // L
    gmat = (ii[:, None] == ii[None, :]).astype(jnp.float32)

    spec_c0 = pl.BlockSpec((1, p, 128), lambda i: (0, 0, 0))
    spec_c1 = pl.BlockSpec((1, p, 128), lambda i: (1, 0, 0))
    out_p = pl.pallas_call(
        _final_body,
        grid=(1,),
        in_specs=[
            spec_c0,
            spec_c1,
            spec_c0,
            spec_c1,
            pl.BlockSpec((p, 128), lambda i: (0, 0)),
            pl.BlockSpec((1, 128), lambda i: (0, 0)),
            pl.BlockSpec((128, 128), lambda i: (0, 0)),
        ],
        out_specs=pl.BlockSpec((p, 128), lambda i: (0, 0)),
        out_shape=jax.ShapeDtypeStruct((p, 128), jnp.float32),
    )(s2p, s2p, d2p, d2p, zp, b_pack, gmat)

    return out_p.reshape(n, L)[:, :n_classes]

# --- scband reference (transcript-rebuilt; emitter-appended) ---
"""Pipeline reference for scband-sgcnet-69810398429700 (READ-ONLY COPY).

The authoritative reference and input builder live on the scoring server;
editing this copy changes nothing except your own understanding.
"""

import jax, jax.numpy as jnp
import numpy as np

N_NODES = 10000
N_EDGES = 160000
D_FEAT = 256
N_CLASSES = 7


def setup_inputs(seed: int = 0) -> dict:
    key = jax.random.key(seed)
    k1, k2, k3 = jax.random.split(key, 3)
    x = jax.random.normal(k1, (N_NODES, D_FEAT), dtype=jnp.float32)
    edge_index = jax.random.randint(k2, (2, N_EDGES), 0, N_NODES, dtype=jnp.int32)
    # SGConv's internal Linear: weight [out_channels, in_channels], bias [out_channels]
    W = jax.random.normal(k3, (N_CLASSES, D_FEAT), dtype=jnp.float32) * (1.0 / np.sqrt(D_FEAT))
    b = jnp.zeros((N_CLASSES,), dtype=jnp.float32)
    return {"x": x, "edge_index": edge_index, "W": W, "b": b}


def reference(x, edge_index, W, b):
    # SGConv with K=1: x' = D^{-1/2} (A + I) D^{-1/2} x ; out = lin(x') ; log_softmax
    N = x.shape[0]
    src = edge_index[0]
    dst = edge_index[1]
    loop = jnp.arange(N, dtype=src.dtype)
    src = jnp.concatenate([src, loop])
    dst = jnp.concatenate([dst, loop])
    # gcn_norm with added self-loops (degree computed over dst)
    deg = jax.ops.segment_sum(jnp.ones_like(dst, dtype=x.dtype), dst, num_segments=N)
    deg_inv_sqrt = jnp.where(deg > 0, 1.0 / jnp.sqrt(deg), 0.0)
    norm = deg_inv_sqrt[src] * deg_inv_sqrt[dst]
    # message passing: gather from src, scale, scatter-add to dst
    msg = x[src] * norm[:, None]
    h = jax.ops.segment_sum(msg, dst, num_segments=N)
    out = h @ W.T + b
    return jax.nn.log_softmax(out, axis=1)

if __name__ == "__main__":
    import jax
    _d = setup_inputs()
    print(jax.jit(kernel)(*tuple(_d.values())))

</pallas_src>

<mosaic_0001>
#map = affine_map<(d0, d1) -> (0, 0)>
#map1 = affine_map<(d0, d1) -> (0, 0, 0)>
module attributes {stable_mosaic.version = 14 : i64} {
  func.func @deg_kernel(%arg0: i32, %arg1: i32, %arg2: memref<1280x128xi32, #tpu.memory_space<hbm>>, %arg3: memref<2x10000x16xf32, #tpu.memory_space<hbm>>, %arg4: memref<40x128xi32, #tpu.memory_space<vmem>>, %arg5: memref<128x16xf32, #tpu.memory_space<vmem>>, %arg6: memref<626x16xf32, #tpu.memory_space<vmem>>, %arg7: memref<10016x16xf32, #tpu.memory_space<vmem_shared>>, %arg8: memref<!tpu.dma_semaphore, #tpu.memory_space<semaphore_mem>>) attributes {dimension_semantics = [#tpu.dimension_semantics<core_parallel>, #tpu.dimension_semantics<subcore_parallel>], iteration_bounds = array<i64: 2, 16>, scalar_prefetch = 0 : i64, scratch_operands = 5 : i64, tpu.core_type = #tpu.core_type<sc_vector_subcore>, window_params = [{transform_indices = #map}, {transform_indices = #map1}]} {
    %mul3A = arith.constant 16 : i32
    %mul3A_0 = arith.muli %arg0, %mul3A : i32
    %add3A = arith.addi %mul3A_0, %arg1 : i32
    %scan3A = arith.constant 0 : i32
    %scan3A_1 = arith.constant 0 : i32
    %scan3A_2 = arith.constant 128 : i32
    %scan3A_3 = arith.addi %scan3A_1, %scan3A_2 : i32
    %scan3A_4 = arith.constant 1 : i32
    scf.for %scan3A_31 = %scan3A_1 to %scan3A_3 step %scan3A_4  : i32 {
      %broadcast_in_dim3A = arith.constant 1.000000e+00 : f32
      %broadcast_in_dim3A_32 = vector.broadcast %broadcast_in_dim3A : f32 to vector<16xf32>
      %swap3A = arith.index_cast %scan3A_31 : i32 to index
      %swap3A_33 = arith.constant 0 : index
      %swap3A_34 = tpu.vector_load %arg5[%swap3A, %swap3A_33] {strides = array<i32>} : memref<128x16xf32, #tpu.memory_space<vmem>>, vector<1x16xf32>,
      %swap3A_35 = vector.shape_cast %swap3A_34 : vector<1x16xf32> to vector<16xf32>
      %swap3A_36 = vector.shape_cast %broadcast_in_dim3A_32 : vector<16xf32> to vector<1x16xf32>
      tpu.vector_store %arg5[%swap3A, %swap3A_33], %swap3A_36 {strides = array<i32>} : memref<128x16xf32, #tpu.memory_space<vmem>>, vector<1x16xf32>,
    }
    %scan3A_5 = arith.constant 128 : i32
    %scan3A_6 = arith.constant 0 : i32
    %scan3A_7 = arith.constant 0 : i32
    %scan3A_8 = arith.constant 626 : i32
    %scan3A_9 = arith.addi %scan3A_7, %scan3A_8 : i32
    %scan3A_10 = arith.constant 1 : i32
    scf.for %scan3A_31 = %scan3A_7 to %scan3A_9 step %scan3A_10  : i32 {
      %broadcast_in_dim3A = arith.constant 0.000000e+00 : f32
      %broadcast_in_dim3A_32 = vector.broadcast %broadcast_in_dim3A : f32 to vector<16xf32>
      %swap3A = arith.index_cast %scan3A_31 : i32 to index
      %swap3A_33 = arith.constant 0 : index
      %swap3A_34 = tpu.vector_load %arg6[%swap3A, %swap3A_33] {strides = array<i32>} : memref<626x16xf32, #tpu.memory_space<vmem>>, vector<1x16xf32>,
      %swap3A_35 = vector.shape_cast %swap3A_34 : vector<1x16xf32> to vector<16xf32>
      %swap3A_36 = vector.shape_cast %broadcast_in_dim3A_32 : vector<16xf32> to vector<1x16xf32>
      tpu.vector_store %arg6[%swap3A, %swap3A_33], %swap3A_36 {strides = array<i32>} : memref<626x16xf32, #tpu.memory_space<vmem>>, vector<1x16xf32>,
    }
    %scan3A_11 = arith.constant 626 : i32
    %mul3A_12 = arith.constant 626 : i32
    %mul3A_13 = arith.muli %arg1, %mul3A_12 : i32
    "tpu.region"() ({
      %run_scoped3A = tpu.sem_alloc : memref<!tpu.dma_semaphore, #tpu.memory_space<semaphore_mem>>
      %dma_start3A = arith.constant 0 : i32
      %dma_start3A_31 = tpu.memref_slice %arg7[%mul3A_13, %dma_start3A] : memref<10016x16xf32, #tpu.memory_space<vmem_shared>> -> memref<626x16xf32, #tpu.memory_space<vmem_shared>>
      %dma_start3A_32 = arith.constant 0 : i32
      %dma_start3A_33 = tpu.memref_slice %arg7[%mul3A_13, %dma_start3A_32] : memref<10016x16xf32, #tpu.memory_space<vmem_shared>> -> memref<626x16xf32, #tpu.memory_space<vmem_shared>>
      tpu.enqueue_dma source(%arg6 : memref<626x16xf32, #tpu.memory_space<vmem>>) target(%dma_start3A_33 : memref<626x16xf32, #tpu.memory_space<vmem_shared>>) target_semaphore(%run_scoped3A : memref<!tpu.dma_semaphore, #tpu.memory_space<semaphore_mem>>)
      %dma_wait3A = arith.constant 0 : i32
      %dma_wait3A_34 = tpu.memref_slice %arg7[%mul3A_13, %dma_wait3A] : memref<10016x16xf32, #tpu.memory_space<vmem_shared>> -> memref<626x16xf32, #tpu.memory_space<vmem_shared>>
      %dma_wait3A_35 = arith.constant 0 : i32
      %dma_wait3A_36 = tpu.memref_slice %arg7[%mul3A_13, %dma_wait3A_35] : memref<10016x16xf32, #tpu.memory_space<vmem_shared>> -> memref<626x16xf32, #tpu.memory_space<vmem_shared>>
      tpu.wait_dma2 semaphore(%run_scoped3A : memref<!tpu.dma_semaphore, #tpu.memory_space<semaphore_mem>>) src(%arg6 : memref<626x16xf32, #tpu.memory_space<vmem>>) dst(%dma_wait3A_36 : memref<626x16xf32, #tpu.memory_space<vmem_shared>>)
      tpu.yield
    }) : () -> ()
    %barrier3A = arith.constant 0 : index
    tpu.barrier barrier_id(%barrier3A)
    %mul3A_14 = arith.constant 40 : i32
    %mul3A_15 = arith.muli %add3A, %mul3A_14 : i32
    "tpu.region"() ({
      %run_scoped3A = tpu.sem_alloc : memref<!tpu.dma_semaphore, #tpu.memory_space<semaphore_mem>>
      %dma_start3A = arith.constant 0 : i32
      %dma_start3A_31 = tpu.memref_slice %arg2[%mul3A_15, %dma_start3A] : memref<1280x128xi32, #tpu.memory_space<hbm>> -> memref<40x128xi32, #tpu.memory_space<hbm>>
      %dma_start3A_32 = arith.constant 0 : i32
      %dma_start3A_33 = tpu.memref_slice %arg2[%mul3A_15, %dma_start3A_32] : memref<1280x128xi32, #tpu.memory_space<hbm>> -> memref<40x128xi32, #tpu.memory_space<hbm>>
      tpu.enqueue_dma source(%dma_start3A_33 : memref<40x128xi32, #tpu.memory_space<hbm>>) target(%arg4 : memref<40x128xi32, #tpu.memory_space<vmem>>) target_semaphore(%run_scoped3A : memref<!tpu.dma_semaphore, #tpu.memory_space<semaphore_mem>>)
      %dma_wait3A = arith.constant 0 : i32
      %dma_wait3A_34 = tpu.memref_slice %arg2[%mul3A_15, %dma_wait3A] : memref<1280x128xi32, #tpu.memory_space<hbm>> -> memref<40x128xi32, #tpu.memory_space<hbm>>
      %dma_wait3A_35 = arith.constant 0 : i32
      %dma_wait3A_36 = tpu.memref_slice %arg2[%mul3A_15, %dma_wait3A_35] : memref<1280x128xi32, #tpu.memory_space<hbm>> -> memref<40x128xi32, #tpu.memory_space<hbm>>
      tpu.wait_dma2 semaphore(%run_scoped3A : memref<!tpu.dma_semaphore, #tpu.memory_space<semaphore_mem>>) src(%dma_wait3A_36 : memref<40x128xi32, #tpu.memory_space<hbm>>) dst(%arg4 : memref<40x128xi32, #tpu.memory_space<vmem>>)
      tpu.yield
    }) : () -> ()
    %scan3A_16 = arith.constant 0 : i32
    %scan3A_17 = arith.constant 0 : i32
    %scan3A_18 = arith.constant 40 : i32
    %scan3A_19 = arith.addi %scan3A_17, %scan3A_18 : i32
    %scan3A_20 = arith.constant 1 : i32
    scf.for %scan3A_31 = %scan3A_17 to %scan3A_19 step %scan3A_20  : i32 {
      %dma_start3A = arith.constant 0 : i32
      %dma_start3A_32 = tpu.memref_slice %arg4[%scan3A_31, %dma_start3A] : memref<40x128xi32, #tpu.memory_space<vmem>> -> memref<1x128xi32, #tpu.memory_space<vmem>>
      %dma_start3A_33 = tpu.memref_squeeze %dma_start3A_32 : memref<1x128xi32, #tpu.memory_space<vmem>> -> memref<128xi32, #tpu.memory_space<vmem>>
      %dma_start3A_34 = arith.constant 0 : i32
      %dma_start3A_35 = arith.constant 0 : i32
      %dma_start3A_36 = tpu.memref_slice %arg7[%dma_start3A_34, %dma_start3A_35] : memref<10016x16xf32, #tpu.memory_space<vmem_shared>> -> memref<10016x16xf32, #tpu.memory_space<vmem_shared>>
      tpu.enqueue_indirect_dma source(%arg5 : memref<128x16xf32, #tpu.memory_space<vmem>>) target(%dma_start3A_36 : memref<10016x16xf32, #tpu.memory_space<vmem_shared>>) offsets(%dma_start3A_33 : memref<128xi32, #tpu.memory_space<vmem>>) semaphore(%arg8 : memref<!tpu.dma_semaphore, #tpu.memory_space<semaphore_mem>>) {add = true}
    }
    %scan3A_21 = arith.constant 40 : i32
    %scan3A_22 = arith.constant 0 : i32
    %scan3A_23 = arith.constant 0 : i32
    %scan3A_24 = arith.constant 40 : i32
    %scan3A_25 = arith.addi %scan3A_23, %scan3A_24 : i32
    %scan3A_26 = arith.constant 1 : i32
    scf.for %scan3A_31 = %scan3A_23 to %scan3A_25 step %scan3A_26  : i32 {
      %dma_wait3A = arith.constant 0 : i32
      %dma_wait3A_32 = tpu.memref_slice %arg4[%scan3A_31, %dma_wait3A] : memref<40x128xi32, #tpu.memory_space<vmem>> -> memref<1x128xi32, #tpu.memory_space<vmem>>
      %dma_wait3A_33 = tpu.memref_squeeze %dma_wait3A_32 : memref<1x128xi32, #tpu.memory_space<vmem>> -> memref<128xi32, #tpu.memory_space<vmem>>
      %dma_wait3A_34 = arith.constant 0 : i32
      %dma_wait3A_35 = arith.constant 0 : i32
      %dma_wait3A_36 = tpu.memref_slice %arg7[%dma_wait3A_34, %dma_wait3A_35] : memref<10016x16xf32, #tpu.memory_space<vmem_shared>> -> memref<10016x16xf32, #tpu.memory_space<vmem_shared>>
      tpu.wait_indirect_dma semaphore(%arg8 : memref<!tpu.dma_semaphore, #tpu.memory_space<semaphore_mem>>) src(%arg5 : memref<128x16xf32, #tpu.memory_space<vmem>>) dst(%dma_wait3A_36 : memref<10016x16xf32, #tpu.memory_space<vmem_shared>>)
    }
    %scan3A_27 = arith.constant 40 : i32
    %barrier3A_28 = arith.constant 0 : index
    tpu.barrier barrier_id(%barrier3A_28)
    %eq3A = arith.constant 0 : i32
    %eq3A_29 = arith.cmpi eq, %arg1, %eq3A : i32
    %convert_element_type3A = arith.extui %eq3A_29 : i1 to i32
    %cond3A = arith.constant 0 : i32
    %cond3A_30 = arith.cmpi ne, %convert_element_type3A, %cond3A : i32
    scf.if %cond3A_30 {
      "tpu.region"() ({
        %run_scoped3A = tpu.sem_alloc : memref<!tpu.dma_semaphore, #tpu.memory_space<semaphore_mem>>
        %dma_start3A = arith.constant 0 : i32
        %dma_start3A_31 = arith.constant 0 : i32
        %dma_start3A_32 = tpu.memref_slice %arg3[%arg0, %dma_start3A, %dma_start3A_31] : memref<2x10000x16xf32, #tpu.memory_space<hbm>> -> memref<1x10000x16xf32, #tpu.memory_space<hbm>>
        %dma_start3A_33 = tpu.memref_squeeze %dma_start3A_32 : memref<1x10000x16xf32, #tpu.memory_space<hbm>> -> memref<10000x16xf32, #tpu.memory_space<hbm>>
        %dma_start3A_34 = arith.constant 0 : i32
        %dma_start3A_35 = arith.constant 0 : i32
        %dma_start3A_36 = tpu.memref_slice %arg7[%dma_start3A_34, %dma_start3A_35] : memref<10016x16xf32, #tpu.memory_space<vmem_shared>> -> memref<10000x16xf32, #tpu.memory_space<vmem_shared>>
        tpu.enqueue_dma source(%dma_start3A_36 : memref<10000x16xf32, #tpu.memory_space<vmem_shared>>) target(%dma_start3A_33 : memref<10000x16xf32, #tpu.memory_space<hbm>>) target_semaphore(%run_scoped3A : memref<!tpu.dma_semaphore, #tpu.memory_space<semaphore_mem>>)
        %dma_wait3A = arith.constant 0 : i32
        %dma_wait3A_37 = arith.constant 0 : i32
        %dma_wait3A_38 = tpu.memref_slice %arg3[%arg0, %dma_wait3A, %dma_wait3A_37] : memref<2x10000x16xf32, #tpu.memory_space<hbm>> -> memref<1x10000x16xf32, #tpu.memory_space<hbm>>
        %dma_wait3A_39 = tpu.memref_squeeze %dma_wait3A_38 : memref<1x10000x16xf32, #tpu.memory_space<hbm>> -> memref<10000x16xf32, #tpu.memory_space<hbm>>
        %dma_wait3A_40 = arith.constant 0 : i32
        %dma_wait3A_41 = arith.constant 0 : i32
        %dma_wait3A_42 = tpu.memref_slice %arg7[%dma_wait3A_40, %dma_wait3A_41] : memref<10016x16xf32, #tpu.memory_space<vmem_shared>> -> memref<10000x16xf32, #tpu.memory_space<vmem_shared>>
        tpu.wait_dma2 semaphore(%run_scoped3A : memref<!tpu.dma_semaphore, #tpu.memory_space<semaphore_mem>>) src(%dma_wait3A_42 : memref<10000x16xf32, #tpu.memory_space<vmem_shared>>) dst(%dma_wait3A_39 : memref<10000x16xf32, #tpu.memory_space<hbm>>)
        tpu.yield
      }) : () -> ()
    } else {
    }
    return
  }
}

#map = affine_map<(d0, d1) -> (0, 0)>
#map1 = affine_map<(d0, d1) -> (0, 0, 0)>
module attributes {stable_mosaic.version = 14 : i64} {
  func.func @prop_kernel(%arg0: i32, %arg1: i32, %arg2: memref<10000x16xf32, #tpu.memory_space<hbm>>, %arg3: memref<1280x128xi32, #tpu.memory_space<hbm>>, %arg4: memref<1280x128xi32, #tpu.memory_space<hbm>>, %arg5: memref<2x10000x16xf32, #tpu.memory_space<hbm>>, %arg6: memref<63x128xi32, #tpu.memory_space<vmem>>, %arg7: memref<63x128xi32, #tpu.memory_space<vmem>>, %arg8: memref<16x128x16xf32, #tpu.memory_space<vmem>>, %arg9: memref<626x16xf32, #tpu.memory_space<vmem>>, %arg10: memref<10016x16xf32, #tpu.memory_space<vmem_shared>>, %arg11: memref<!tpu.dma_semaphore, #tpu.memory_space<semaphore_mem>>, %arg12: memref<!tpu.dma_semaphore, #tpu.memory_space<semaphore_mem>>) attributes {dimension_semantics = [#tpu.dimension_semantics<core_parallel>, #tpu.dimension_semantics<subcore_parallel>], iteration_bounds = array<i64: 2, 16>, scalar_prefetch = 0 : i64, scratch_operands = 7 : i64, tpu.core_type = #tpu.core_type<sc_vector_subcore>, window_params = [{transform_indices = #map}, {transform_indices = #map}, {transform_indices = #map}, {transform_indices = #map1}]} {
    %scan3A = arith.constant 0 : i32
    %scan3A_0 = arith.constant 0 : i32
    %scan3A_1 = arith.constant 626 : i32
    %scan3A_2 = arith.addi %scan3A_0, %scan3A_1 : i32
    %scan3A_3 = arith.constant 1 : i32
    scf.for %scan3A_19 = %scan3A_0 to %scan3A_2 step %scan3A_3  : i32 {
      %broadcast_in_dim3A = arith.constant 0.000000e+00 : f32
      %broadcast_in_dim3A_20 = vector.broadcast %broadcast_in_dim3A : f32 to vector<16xf32>
      %swap3A = arith.index_cast %scan3A_19 : i32 to index
      %swap3A_21 = arith.constant 0 : index
      %swap3A_22 = tpu.vector_load %arg9[%swap3A, %swap3A_21] {strides = array<i32>} : memref<626x16xf32, #tpu.memory_space<vmem>>, vector<1x16xf32>,
      %swap3A_23 = vector.shape_cast %swap3A_22 : vector<1x16xf32> to vector<16xf32>
      %swap3A_24 = vector.shape_cast %broadcast_in_dim3A_20 : vector<16xf32> to vector<1x16xf32>
      tpu.vector_store %arg9[%swap3A, %swap3A_21], %swap3A_24 {strides = array<i32>} : memref<626x16xf32, #tpu.memory_space<vmem>>, vector<1x16xf32>,
    }
    %scan3A_4 = arith.constant 626 : i32
    %mul3A = arith.constant 626 : i32
    %mul3A_5 = arith.muli %arg1, %mul3A : i32
    "tpu.region"() ({
      %run_scoped3A = tpu.sem_alloc : memref<!tpu.dma_semaphore, #tpu.memory_space<semaphore_mem>>
      %dma_start3A = arith.constant 0 : i32
      %dma_start3A_19 = tpu.memref_slice %arg10[%mul3A_5, %dma_start3A] : memref<10016x16xf32, #tpu.memory_space<vmem_shared>> -> memref<626x16xf32, #tpu.memory_space<vmem_shared>>
      %dma_start3A_20 = arith.constant 0 : i32
      %dma_start3A_21 = tpu.memref_slice %arg10[%mul3A_5, %dma_start3A_20] : memref<10016x16xf32, #tpu.memory_space<vmem_shared>> -> memref<626x16xf32, #tpu.memory_space<vmem_shared>>
      tpu.enqueue_dma source(%arg9 : memref<626x16xf32, #tpu.memory_space<vmem>>) target(%dma_start3A_21 : memref<626x16xf32, #tpu.memory_space<vmem_shared>>) target_semaphore(%run_scoped3A : memref<!tpu.dma_semaphore, #tpu.memory_space<semaphore_mem>>)
      %dma_wait3A = arith.constant 0 : i32
      %dma_wait3A_22 = tpu.memref_slice %arg10[%mul3A_5, %dma_wait3A] : memref<10016x16xf32, #tpu.memory_space<vmem_shared>> -> memref<626x16xf32, #tpu.memory_space<vmem_shared>>
      %dma_wait3A_23 = arith.constant 0 : i32
      %dma_wait3A_24 = tpu.memref_slice %arg10[%mul3A_5, %dma_wait3A_23] : memref<10016x16xf32, #tpu.memory_space<vmem_shared>> -> memref<626x16xf32, #tpu.memory_space<vmem_shared>>
      tpu.wait_dma2 semaphore(%run_scoped3A : memref<!tpu.dma_semaphore, #tpu.memory_space<semaphore_mem>>) src(%arg9 : memref<626x16xf32, #tpu.memory_space<vmem>>) dst(%dma_wait3A_24 : memref<626x16xf32, #tpu.memory_space<vmem_shared>>)
      tpu.yield
    }) : () -> ()
    %barrier3A = arith.constant 0 : index
    tpu.barrier barrier_id(%barrier3A)
    %eq3A = arith.constant 0 : i32
    %eq3A_6 = arith.cmpi eq, %arg0, %eq3A : i32
    %convert_element_type3A = arith.extui %eq3A_6 : i1 to i32
    %cond3A = arith.constant 0 : i32
    %cond3A_7 = arith.cmpi ne, %convert_element_type3A, %cond3A : i32
    scf.if %cond3A_7 {
      %mul3A_19 = arith.constant 63 : i32
      %mul3A_20 = arith.muli %arg1, %mul3A_19 : i32
      "tpu.region"() ({
        %run_scoped3A = tpu.sem_alloc : memref<!tpu.dma_semaphore, #tpu.memory_space<semaphore_mem>>
        %dma_start3A = arith.constant 0 : i32
        %dma_start3A_39 = arith.constant 0 : i32
        %dma_start3A_40 = tpu.memref_slice %arg6[%dma_start3A, %dma_start3A_39] : memref<63x128xi32, #tpu.memory_space<vmem>> -> memref<63x128xi32, #tpu.memory_space<vmem>>
        %dma_start3A_41 = arith.constant 0 : i32
        %dma_start3A_42 = tpu.memref_slice %arg3[%mul3A_20, %dma_start3A_41] : memref<1280x128xi32, #tpu.memory_space<hbm>> -> memref<63x128xi32, #tpu.memory_space<hbm>>
        %dma_start3A_43 = arith.constant 0 : i32
        %dma_start3A_44 = arith.constant 0 : i32
        %dma_start3A_45 = tpu.memref_slice %arg6[%dma_start3A_43, %dma_start3A_44] : memref<63x128xi32, #tpu.memory_space<vmem>> -> memref<63x128xi32, #tpu.memory_space<vmem>>
        %dma_start3A_46 = arith.constant 0 : i32
        %dma_start3A_47 = tpu.memref_slice %arg3[%mul3A_20, %dma_start3A_46] : memref<1280x128xi32, #tpu.memory_space<hbm>> -> memref<63x128xi32, #tpu.memory_space<hbm>>
        tpu.enqueue_dma source(%dma_start3A_47 : memref<63x128xi32, #tpu.memory_space<hbm>>) target(%dma_start3A_45 : memref<63x128xi32, #tpu.memory_space<vmem>>) target_semaphore(%run_scoped3A : memref<!tpu.dma_semaphore, #tpu.memory_space<semaphore_mem>>)
        %dma_wait3A = arith.constant 0 : i32
        %dma_wait3A_48 = arith.constant 0 : i32
        %dma_wait3A_49 = tpu.memref_slice %arg6[%dma_wait3A, %dma_wait3A_48] : memref<63x128xi32, #tpu.memory_space<vmem>> -> memref<63x128xi32, #tpu.memory_space<vmem>>
        %dma_wait3A_50 = arith.constant 0 : i32
        %dma_wait3A_51 = tpu.memref_slice %arg3[%mul3A_20, %dma_wait3A_50] : memref<1280x128xi32, #tpu.memory_space<hbm>> -> memref<63x128xi32, #tpu.memory_space<hbm>>
        %dma_wait3A_52 = arith.constant 0 : i32
        %dma_wait3A_53 = arith.constant 0 : i32
        %dma_wait3A_54 = tpu.memref_slice %arg6[%dma_wait3A_52, %dma_wait3A_53] : memref<63x128xi32, #tpu.memory_space<vmem>> -> memref<63x128xi32, #tpu.memory_space<vmem>>
        %dma_wait3A_55 = arith.constant 0 : i32
        %dma_wait3A_56 = tpu.memref_slice %arg3[%mul3A_20, %dma_wait3A_55] : memref<1280x128xi32, #tpu.memory_space<hbm>> -> memref<63x128xi32, #tpu.memory_space<hbm>>
        tpu.wait_dma2 semaphore(%run_scoped3A : memref<!tpu.dma_semaphore, #tpu.memory_space<semaphore_mem>>) src(%dma_wait3A_56 : memref<63x128xi32, #tpu.memory_space<hbm>>) dst(%dma_wait3A_54 : memref<63x128xi32, #tpu.memory_space<vmem>>)
        tpu.yield
      }) : () -> ()
      "tpu.region"() ({
        %run_scoped3A = tpu.sem_alloc : memref<!tpu.dma_semaphore, #tpu.memory_space<semaphore_mem>>
        %dma_start3A = arith.constant 0 : i32
        %dma_start3A_39 = arith.constant 0 : i32
        %dma_start3A_40 = tpu.memref_slice %arg7[%dma_start3A, %dma_start3A_39] : memref<63x128xi32, #tpu.memory_space<vmem>> -> memref<63x128xi32, #tpu.memory_space<vmem>>
        %dma_start3A_41 = arith.constant 0 : i32
        %dma_start3A_42 = tpu.memref_slice %arg4[%mul3A_20, %dma_start3A_41] : memref<1280x128xi32, #tpu.memory_space<hbm>> -> memref<63x128xi32, #tpu.memory_space<hbm>>
        %dma_start3A_43 = arith.constant 0 : i32
        %dma_start3A_44 = arith.constant 0 : i32
        %dma_start3A_45 = tpu.memref_slice %arg7[%dma_start3A_43, %dma_start3A_44] : memref<63x128xi32, #tpu.memory_space<vmem>> -> memref<63x128xi32, #tpu.memory_space<vmem>>
        %dma_start3A_46 = arith.constant 0 : i32
        %dma_start3A_47 = tpu.memref_slice %arg4[%mul3A_20, %dma_start3A_46] : memref<1280x128xi32, #tpu.memory_space<hbm>> -> memref<63x128xi32, #tpu.memory_space<hbm>>
        tpu.enqueue_dma source(%dma_start3A_47 : memref<63x128xi32, #tpu.memory_space<hbm>>) target(%dma_start3A_45 : memref<63x128xi32, #tpu.memory_space<vmem>>) target_semaphore(%run_scoped3A : memref<!tpu.dma_semaphore, #tpu.memory_space<semaphore_mem>>)
        %dma_wait3A = arith.constant 0 : i32
        %dma_wait3A_48 = arith.constant 0 : i32
        %dma_wait3A_49 = tpu.memref_slice %arg7[%dma_wait3A, %dma_wait3A_48] : memref<63x128xi32, #tpu.memory_space<vmem>> -> memref<63x128xi32, #tpu.memory_space<vmem>>
        %dma_wait3A_50 = arith.constant 0 : i32
        %dma_wait3A_51 = tpu.memref_slice %arg4[%mul3A_20, %dma_wait3A_50] : memref<1280x128xi32, #tpu.memory_space<hbm>> -> memref<63x128xi32, #tpu.memory_space<hbm>>
        %dma_wait3A_52 = arith.constant 0 : i32
        %dma_wait3A_53 = arith.constant 0 : i32
        %dma_wait3A_54 = tpu.memref_slice %arg7[%dma_wait3A_52, %dma_wait3A_53] : memref<63x128xi32, #tpu.memory_space<vmem>> -> memref<63x128xi32, #tpu.memory_space<vmem>>
        %dma_wait3A_55 = arith.constant 0 : i32
        %dma_wait3A_56 = tpu.memref_slice %arg4[%mul3A_20, %dma_wait3A_55] : memref<1280x128xi32, #tpu.memory_space<hbm>> -> memref<63x128xi32, #tpu.memory_space<hbm>>
        tpu.wait_dma2 semaphore(%run_scoped3A : memref<!tpu.dma_semaphore, #tpu.memory_space<semaphore_mem>>) src(%dma_wait3A_56 : memref<63x128xi32, #tpu.memory_space<hbm>>) dst(%dma_wait3A_54 : memref<63x128xi32, #tpu.memory_space<vmem>>)
        tpu.yield
      }) : () -> ()
      %scan3A_21 = arith.constant 0 : i32
      %scan3A_22 = arith.constant 0 : i32
      %scan3A_23 = arith.constant 8 : i32
      %scan3A_24 = arith.addi %scan3A_22, %scan3A_23 : i32
      %scan3A_25 = arith.constant 1 : i32
      scf.for %scan3A_39 = %scan3A_22 to %scan3A_24 step %scan3A_25  : i32 {
        %lt3A = arith.constant 63 : i32
        %lt3A_40 = arith.cmpi slt, %scan3A_39, %lt3A : i32
        %convert_element_type3A_41 = arith.extui %lt3A_40 : i1 to i32
        %cond3A_42 = arith.constant 0 : i32
        %cond3A_43 = arith.cmpi ne, %convert_element_type3A_41, %cond3A_42 : i32
        scf.if %cond3A_43 {
          %and3A = arith.constant 15 : i32
          %and3A_44 = arith.andi %scan3A_39, %and3A : i32
          %dma_start3A = arith.constant 0 : i32
          %dma_start3A_45 = arith.constant 0 : i32
          %dma_start3A_46 = tpu.memref_slice %arg8[%and3A_44, %dma_start3A, %dma_start3A_45] : memref<16x128x16xf32, #tpu.memory_space<vmem>> -> memref<1x128x16xf32, #tpu.memory_space<vmem>>
          %dma_start3A_47 = tpu.memref_squeeze %dma_start3A_46 : memref<1x128x16xf32, #tpu.memory_space<vmem>> -> memref<128x16xf32, #tpu.memory_space<vmem>>
          %dma_start3A_48 = arith.constant 0 : i32
          %dma_start3A_49 = tpu.memref_slice %arg6[%scan3A_39, %dma_start3A_48] : memref<63x128xi32, #tpu.memory_space<vmem>> -> memref<1x128xi32, #tpu.memory_space<vmem>>
          %dma_start3A_50 = tpu.memref_squeeze %dma_start3A_49 : memref<1x128xi32, #tpu.memory_space<vmem>> -> memref<128xi32, #tpu.memory_space<vmem>>
          %dma_start3A_51 = arith.constant 0 : i32
          %dma_start3A_52 = arith.constant 0 : i32
          %dma_start3A_53 = tpu.memref_slice %arg2[%dma_start3A_51, %dma_start3A_52] : memref<10000x16xf32, #tpu.memory_space<hbm>> -> memref<10000x16xf32, #tpu.memory_space<hbm>>
          tpu.enqueue_indirect_dma source(%dma_start3A_53 : memref<10000x16xf32, #tpu.memory_space<hbm>>) target(%dma_start3A_47 : memref<128x16xf32, #tpu.memory_space<vmem>>) offsets(%dma_start3A_50 : memref<128xi32, #tpu.memory_space<vmem>>) semaphore(%arg11 : memref<!tpu.dma_semaphore, #tpu.memory_space<semaphore_mem>>)
        } else {
        }
      }
      %scan3A_26 = arith.constant 8 : i32
      %scan3A_27 = arith.constant 0 : i32
      %scan3A_28 = arith.constant 0 : i32
      %scan3A_29 = arith.constant 63 : i32
      %scan3A_30 = arith.addi %scan3A_28, %scan3A_29 : i32
      %scan3A_31 = arith.constant 1 : i32
      scf.for %scan3A_39 = %scan3A_28 to %scan3A_30 step %scan3A_31  : i32 {
        %and3A = arith.constant 15 : i32
        %and3A_40 = arith.andi %scan3A_39, %and3A : i32
        %dma_wait3A = arith.constant 0 : i32
        %dma_wait3A_41 = arith.constant 0 : i32
        %dma_wait3A_42 = tpu.memref_slice %arg8[%and3A_40, %dma_wait3A, %dma_wait3A_41] : memref<16x128x16xf32, #tpu.memory_space<vmem>> -> memref<1x128x16xf32, #tpu.memory_space<vmem>>
        %dma_wait3A_43 = tpu.memref_squeeze %dma_wait3A_42 : memref<1x128x16xf32, #tpu.memory_space<vmem>> -> memref<128x16xf32, #tpu.memory_space<vmem>>
        %dma_wait3A_44 = arith.constant 0 : i32
        %dma_wait3A_45 = tpu.memref_slice %arg6[%scan3A_39, %dma_wait3A_44] : memref<63x128xi32, #tpu.memory_space<vmem>> -> memref<1x128xi32, #tpu.memory_space<vmem>>
        %dma_wait3A_46 = tpu.memref_squeeze %dma_wait3A_45 : memref<1x128xi32, #tpu.memory_space<vmem>> -> memref<128xi32, #tpu.memory_space<vmem>>
        %dma_wait3A_47 = arith.constant 0 : i32
        %dma_wait3A_48 = arith.constant 0 : i32
        %dma_wait3A_49 = tpu.memref_slice %arg2[%dma_wait3A_47, %dma_wait3A_48] : memref<10000x16xf32, #tpu.memory_space<hbm>> -> memref<10000x16xf32, #tpu.memory_space<hbm>>
        tpu.wait_indirect_dma semaphore(%arg11 : memref<!tpu.dma_semaphore, #tpu.memory_space<semaphore_mem>>) src(%dma_wait3A_49 : memref<10000x16xf32, #tpu.memory_space<hbm>>) dst(%dma_wait3A_43 : memref<128x16xf32, #tpu.memory_space<vmem>>)
        %dma_start3A = arith.constant 0 : i32
        %dma_start3A_50 = arith.constant 0 : i32
        %dma_start3A_51 = tpu.memref_slice %arg8[%and3A_40, %dma_start3A, %dma_start3A_50] : memref<16x128x16xf32, #tpu.memory_space<vmem>> -> memref<1x128x16xf32, #tpu.memory_space<vmem>>
        %dma_start3A_52 = tpu.memref_squeeze %dma_start3A_51 : memref<1x128x16xf32, #tpu.memory_space<vmem>> -> memref<128x16xf32, #tpu.memory_space<vmem>>
        %dma_start3A_53 = arith.constant 0 : i32
        %dma_start3A_54 = tpu.memref_slice %arg7[%scan3A_39, %dma_start3A_53] : memref<63x128xi32, #tpu.memory_space<vmem>> -> memref<1x128xi32, #tpu.memory_space<vmem>>
        %dma_start3A_55 = tpu.memref_squeeze %dma_start3A_54 : memref<1x128xi32, #tpu.memory_space<vmem>> -> memref<128xi32, #tpu.memory_space<vmem>>
        %dma_start3A_56 = arith.constant 0 : i32
        %dma_start3A_57 = arith.constant 0 : i32
        %dma_start3A_58 = tpu.memref_slice %arg10[%dma_start3A_56, %dma_start3A_57] : memref<10016x16xf32, #tpu.memory_space<vmem_shared>> -> memref<10016x16xf32, #tpu.memory_space<vmem_shared>>
        tpu.enqueue_indirect_dma source(%dma_start3A_52 : memref<128x16xf32, #tpu.memory_space<vmem>>) target(%dma_start3A_58 : memref<10016x16xf32, #tpu.memory_space<vmem_shared>>) offsets(%dma_start3A_55 : memref<128xi32, #tpu.memory_space<vmem>>) semaphore(%arg12 : memref<!tpu.dma_semaphore, #tpu.memory_space<semaphore_mem>>) {add = true}
        %ge3A = arith.constant 8 : i32
        %ge3A_59 = arith.cmpi sge, %scan3A_39, %ge3A : i32
        %convert_element_type3A_60 = arith.extui %ge3A_59 : i1 to i32
        %cond3A_61 = arith.constant 0 : i32
        %cond3A_62 = arith.cmpi ne, %convert_element_type3A_60, %cond3A_61 : i32
        scf.if %cond3A_62 {
          %sub3A = arith.constant 8 : i32
          %sub3A_68 = arith.subi %scan3A_39, %sub3A : i32
          %and3A_69 = arith.constant 15 : i32
          %and3A_70 = arith.andi %sub3A_68, %and3A_69 : i32
          %dma_wait3A_71 = arith.constant 0 : i32
          %dma_wait3A_72 = arith.constant 0 : i32
          %dma_wait3A_73 = tpu.memref_slice %arg8[%and3A_70, %dma_wait3A_71, %dma_wait3A_72] : memref<16x128x16xf32, #tpu.memory_space<vmem>> -> memref<1x128x16xf32, #tpu.memory_space<vmem>>
          %dma_wait3A_74 = tpu.memref_squeeze %dma_wait3A_73 : memref<1x128x16xf32, #tpu.memory_space<vmem>> -> memref<128x16xf32, #tpu.memory_space<vmem>>
          %dma_wait3A_75 = arith.constant 0 : i32
          %dma_wait3A_76 = tpu.memref_slice %arg7[%sub3A_68, %dma_wait3A_75] : memref<63x128xi32, #tpu.memory_space<vmem>> -> memref<1x128xi32, #tpu.memory_space<vmem>>
          %dma_wait3A_77 = tpu.memref_squeeze %dma_wait3A_76 : memref<1x128xi32, #tpu.memory_space<vmem>> -> memref<128xi32, #tpu.memory_space<vmem>>
          %dma_wait3A_78 = arith.constant 0 : i32
          %dma_wait3A_79 = arith.constant 0 : i32
          %dma_wait3A_80 = tpu.memref_slice %arg10[%dma_wait3A_78, %dma_wait3A_79] : memref<10016x16xf32, #tpu.memory_space<vmem_shared>> -> memref<10016x16xf32, #tpu.memory_space<vmem_shared>>
          tpu.wait_indirect_dma semaphore(%arg12 : memref<!tpu.dma_semaphore, #tpu.memory_space<semaphore_mem>>) src(%dma_wait3A_74 : memref<128x16xf32, #tpu.memory_space<vmem>>) dst(%dma_wait3A_80 : memref<10016x16xf32, #tpu.memory_space<vmem_shared>>)
        } else {
        }
        %add3A = arith.constant 8 : i32
        %add3A_63 = arith.addi %scan3A_39, %add3A : i32
        %lt3A = arith.constant 63 : i32
        %lt3A_64 = arith.cmpi slt, %add3A_63, %lt3A : i32
        %convert_element_type3A_65 = arith.extui %lt3A_64 : i1 to i32
        %cond3A_66 = arith.constant 0 : i32
        %cond3A_67 = arith.cmpi ne, %convert_element_type3A_65, %cond3A_66 : i32
        scf.if %cond3A_67 {
          %and3A_68 = arith.constant 15 : i32
          %and3A_69 = arith.andi %add3A_63, %and3A_68 : i32
          %dma_start3A_70 = arith.constant 0 : i32
          %dma_start3A_71 = arith.constant 0 : i32
          %dma_start3A_72 = tpu.memref_slice %arg8[%and3A_69, %dma_start3A_70, %dma_start3A_71] : memref<16x128x16xf32, #tpu.memory_space<vmem>> -> memref<1x128x16xf32, #tpu.memory_space<vmem>>
          %dma_start3A_73 = tpu.memref_squeeze %dma_start3A_72 : memref<1x128x16xf32, #tpu.memory_space<vmem>> -> memref<128x16xf32, #tpu.memory_space<vmem>>
          %dma_start3A_74 = arith.constant 0 : i32
          %dma_start3A_75 = tpu.memref_slice %arg6[%add3A_63, %dma_start3A_74] : memref<63x128xi32, #tpu.memory_space<vmem>> -> memref<1x128xi32, #tpu.memory_space<vmem>>
          %dma_start3A_76 = tpu.memref_squeeze %dma_start3A_75 : memref<1x128xi32, #tpu.memory_space<vmem>> -> memref<128xi32, #tpu.memory_space<vmem>>
          %dma_start3A_77 = arith.constant 0 : i32
          %dma_start3A_78 = arith.constant 0 : i32
          %dma_start3A_79 = tpu.memref_slice %arg2[%dma_start3A_77, %dma_start3A_78] : memref<10000x16xf32, #tpu.memory_space<hbm>> -> memref<10000x16xf32, #tpu.memory_space<hbm>>
          tpu.enqueue_indirect_dma source(%dma_start3A_79 : memref<10000x16xf32, #tpu.memory_space<hbm>>) target(%dma_start3A_73 : memref<128x16xf32, #tpu.memory_space<vmem>>) offsets(%dma_start3A_76 : memref<128xi32, #tpu.memory_space<vmem>>) semaphore(%arg11 : memref<!tpu.dma_semaphore, #tpu.memory_space<semaphore_mem>>)
        } else {
        }
      }
      %scan3A_32 = arith.constant 63 : i32
      %scan3A_33 = arith.constant 0 : i32
      %scan3A_34 = arith.constant 55 : i32
      %scan3A_35 = arith.constant 8 : i32
      %scan3A_36 = arith.addi %scan3A_34, %scan3A_35 : i32
      %scan3A_37 = arith.constant 1 : i32
      scf.for %scan3A_39 = %scan3A_34 to %scan3A_36 step %scan3A_37  : i32 {
        %and3A = arith.constant 15 : i32
        %and3A_40 = arith.andi %scan3A_39, %and3A : i32
        %dma_wait3A = arith.constant 0 : i32
        %dma_wait3A_41 = arith.constant 0 : i32
        %dma_wait3A_42 = tpu.memref_slice %arg8[%and3A_40, %dma_wait3A, %dma_wait3A_41] : memref<16x128x16xf32, #tpu.memory_space<vmem>> -> memref<1x128x16xf32, #tpu.memory_space<vmem>>
        %dma_wait3A_43 = tpu.memref_squeeze %dma_wait3A_42 : memref<1x128x16xf32, #tpu.memory_space<vmem>> -> memref<128x16xf32, #tpu.memory_space<vmem>>
        %dma_wait3A_44 = arith.constant 0 : i32
        %dma_wait3A_45 = tpu.memref_slice %arg7[%scan3A_39, %dma_wait3A_44] : memref<63x128xi32, #tpu.memory_space<vmem>> -> memref<1x128xi32, #tpu.memory_space<vmem>>
        %dma_wait3A_46 = tpu.memref_squeeze %dma_wait3A_45 : memref<1x128xi32, #tpu.memory_space<vmem>> -> memref<128xi32, #tpu.memory_space<vmem>>
        %dma_wait3A_47 = arith.constant 0 : i32
        %dma_wait3A_48 = arith.constant 0 : i32
        %dma_wait3A_49 = tpu.memref_slice %arg10[%dma_wait3A_47, %dma_wait3A_48] : memref<10016x16xf32, #tpu.memory_space<vmem_shared>> -> memref<10016x16xf32, #tpu.memory_space<vmem_shared>>
        tpu.wait_indirect_dma semaphore(%arg12 : memref<!tpu.dma_semaphore, #tpu.memory_space<semaphore_mem>>) src(%dma_wait3A_43 : memref<128x16xf32, #tpu.memory_space<vmem>>) dst(%dma_wait3A_49 : memref<10016x16xf32, #tpu.memory_space<vmem_shared>>)
      }
      %scan3A_38 = arith.constant 8 : i32
    } else {
    }
    %eq3A_8 = arith.constant 1 : i32
    %eq3A_9 = arith.cmpi eq, %arg0, %eq3A_8 : i32
    %convert_element_type3A_10 = arith.extui %eq3A_9 : i1 to i32
    %cond3A_11 = arith.constant 0 : i32
    %cond3A_12 = arith.cmpi ne, %convert_element_type3A_10, %cond3A_11 : i32
    scf.if %cond3A_12 {
      %mul3A_19 = arith.constant 17 : i32
      %mul3A_20 = arith.muli %arg1, %mul3A_19 : i32
      %add3A = arith.constant 1008 : i32
      %add3A_21 = arith.addi %add3A, %mul3A_20 : i32
      "tpu.region"() ({
        %run_scoped3A = tpu.sem_alloc : memref<!tpu.dma_semaphore, #tpu.memory_space<semaphore_mem>>
        %dma_start3A = arith.constant 0 : i32
        %dma_start3A_40 = arith.constant 0 : i32
        %dma_start3A_41 = tpu.memref_slice %arg6[%dma_start3A, %dma_start3A_40] : memref<63x128xi32, #tpu.memory_space<vmem>> -> memref<17x128xi32, #tpu.memory_space<vmem>>
        %dma_start3A_42 = arith.constant 0 : i32
        %dma_start3A_43 = tpu.memref_slice %arg3[%add3A_21, %dma_start3A_42] : memref<1280x128xi32, #tpu.memory_space<hbm>> -> memref<17x128xi32, #tpu.memory_space<hbm>>
        %dma_start3A_44 = arith.constant 0 : i32
        %dma_start3A_45 = arith.constant 0 : i32
        %dma_start3A_46 = tpu.memref_slice %arg6[%dma_start3A_44, %dma_start3A_45] : memref<63x128xi32, #tpu.memory_space<vmem>> -> memref<17x128xi32, #tpu.memory_space<vmem>>
        %dma_start3A_47 = arith.constant 0 : i32
        %dma_start3A_48 = tpu.memref_slice %arg3[%add3A_21, %dma_start3A_47] : memref<1280x128xi32, #tpu.memory_space<hbm>> -> memref<17x128xi32, #tpu.memory_space<hbm>>
        tpu.enqueue_dma source(%dma_start3A_48 : memref<17x128xi32, #tpu.memory_space<hbm>>) target(%dma_start3A_46 : memref<17x128xi32, #tpu.memory_space<vmem>>) target_semaphore(%run_scoped3A : memref<!tpu.dma_semaphore, #tpu.memory_space<semaphore_mem>>)
        %dma_wait3A = arith.constant 0 : i32
        %dma_wait3A_49 = arith.constant 0 : i32
        %dma_wait3A_50 = tpu.memref_slice %arg6[%dma_wait3A, %dma_wait3A_49] : memref<63x128xi32, #tpu.memory_space<vmem>> -> memref<17x128xi32, #tpu.memory_space<vmem>>
        %dma_wait3A_51 = arith.constant 0 : i32
        %dma_wait3A_52 = tpu.memref_slice %arg3[%add3A_21, %dma_wait3A_51] : memref<1280x128xi32, #tpu.memory_space<hbm>> -> memref<17x128xi32, #tpu.memory_space<hbm>>
        %dma_wait3A_53 = arith.constant 0 : i32
        %dma_wait3A_54 = arith.constant 0 : i32
        %dma_wait3A_55 = tpu.memref_slice %arg6[%dma_wait3A_53, %dma_wait3A_54] : memref<63x128xi32, #tpu.memory_space<vmem>> -> memref<17x128xi32, #tpu.memory_space<vmem>>
        %dma_wait3A_56 = arith.constant 0 : i32
        %dma_wait3A_57 = tpu.memref_slice %arg3[%add3A_21, %dma_wait3A_56] : memref<1280x128xi32, #tpu.memory_space<hbm>> -> memref<17x128xi32, #tpu.memory_space<hbm>>
        tpu.wait_dma2 semaphore(%run_scoped3A : memref<!tpu.dma_semaphore, #tpu.memory_space<semaphore_mem>>) src(%dma_wait3A_57 : memref<17x128xi32, #tpu.memory_space<hbm>>) dst(%dma_wait3A_55 : memref<17x128xi32, #tpu.memory_space<vmem>>)
        tpu.yield
      }) : () -> ()
      "tpu.region"() ({
        %run_scoped3A = tpu.sem_alloc : memref<!tpu.dma_semaphore, #tpu.memory_space<semaphore_mem>>
        %dma_start3A = arith.constant 0 : i32
        %dma_start3A_40 = arith.constant 0 : i32
        %dma_start3A_41 = tpu.memref_slice %arg7[%dma_start3A, %dma_start3A_40] : memref<63x128xi32, #tpu.memory_space<vmem>> -> memref<17x128xi32, #tpu.memory_space<vmem>>
        %dma_start3A_42 = arith.constant 0 : i32
        %dma_start3A_43 = tpu.memref_slice %arg4[%add3A_21, %dma_start3A_42] : memref<1280x128xi32, #tpu.memory_space<hbm>> -> memref<17x128xi32, #tpu.memory_space<hbm>>
        %dma_start3A_44 = arith.constant 0 : i32
        %dma_start3A_45 = arith.constant 0 : i32
        %dma_start3A_46 = tpu.memref_slice %arg7[%dma_start3A_44, %dma_start3A_45] : memref<63x128xi32, #tpu.memory_space<vmem>> -> memref<17x128xi32, #tpu.memory_space<vmem>>
        %dma_start3A_47 = arith.constant 0 : i32
        %dma_start3A_48 = tpu.memref_slice %arg4[%add3A_21, %dma_start3A_47] : memref<1280x128xi32, #tpu.memory_space<hbm>> -> memref<17x128xi32, #tpu.memory_space<hbm>>
        tpu.enqueue_dma source(%dma_start3A_48 : memref<17x128xi32, #tpu.memory_space<hbm>>) target(%dma_start3A_46 : memref<17x128xi32, #tpu.memory_space<vmem>>) target_semaphore(%run_scoped3A : memref<!tpu.dma_semaphore, #tpu.memory_space<semaphore_mem>>)
        %dma_wait3A = arith.constant 0 : i32
        %dma_wait3A_49 = arith.constant 0 : i32
        %dma_wait3A_50 = tpu.memref_slice %arg7[%dma_wait3A, %dma_wait3A_49] : memref<63x128xi32, #tpu.memory_space<vmem>> -> memref<17x128xi32, #tpu.memory_space<vmem>>
        %dma_wait3A_51 = arith.constant 0 : i32
        %dma_wait3A_52 = tpu.memref_slice %arg4[%add3A_21, %dma_wait3A_51] : memref<1280x128xi32, #tpu.memory_space<hbm>> -> memref<17x128xi32, #tpu.memory_space<hbm>>
        %dma_wait3A_53 = arith.constant 0 : i32
        %dma_wait3A_54 = arith.constant 0 : i32
        %dma_wait3A_55 = tpu.memref_slice %arg7[%dma_wait3A_53, %dma_wait3A_54] : memref<63x128xi32, #tpu.memory_space<vmem>> -> memref<17x128xi32, #tpu.memory_space<vmem>>
        %dma_wait3A_56 = arith.constant 0 : i32
        %dma_wait3A_57 = tpu.memref_slice %arg4[%add3A_21, %dma_wait3A_56] : memref<1280x128xi32, #tpu.memory_space<hbm>> -> memref<17x128xi32, #tpu.memory_space<hbm>>
        tpu.wait_dma2 semaphore(%run_scoped3A : memref<!tpu.dma_semaphore, #tpu.memory_space<semaphore_mem>>) src(%dma_wait3A_57 : memref<17x128xi32, #tpu.memory_space<hbm>>) dst(%dma_wait3A_55 : memref<17x128xi32, #tpu.memory_space<vmem>>)
        tpu.yield
      }) : () -> ()
      %scan3A_22 = arith.constant 0 : i32
      %scan3A_23 = arith.constant 0 : i32
      %scan3A_24 = arith.constant 8 : i32
      %scan3A_25 = arith.addi %scan3A_23, %scan3A_24 : i32
      %scan3A_26 = arith.constant 1 : i32
      scf.for %scan3A_40 = %scan3A_23 to %scan3A_25 step %scan3A_26  : i32 {
        %lt3A = arith.constant 17 : i32
        %lt3A_41 = arith.cmpi slt, %scan3A_40, %lt3A : i32
        %convert_element_type3A_42 = arith.extui %lt3A_41 : i1 to i32
        %cond3A_43 = arith.constant 0 : i32
        %cond3A_44 = arith.cmpi ne, %convert_element_type3A_42, %cond3A_43 : i32
        scf.if %cond3A_44 {
          %and3A = arith.constant 15 : i32
          %and3A_45 = arith.andi %scan3A_40, %and3A : i32
          %dma_start3A = arith.constant 0 : i32
          %dma_start3A_46 = arith.constant 0 : i32
          %dma_start3A_47 = tpu.memref_slice %arg8[%and3A_45, %dma_start3A, %dma_start3A_46] : memref<16x128x16xf32, #tpu.memory_space<vmem>> -> memref<1x128x16xf32, #tpu.memory_space<vmem>>
          %dma_start3A_48 = tpu.memref_squeeze %dma_start3A_47 : memref<1x128x16xf32, #tpu.memory_space<vmem>> -> memref<128x16xf32, #tpu.memory_space<vmem>>
          %dma_start3A_49 = arith.constant 0 : i32
          %dma_start3A_50 = tpu.memref_slice %arg6[%scan3A_40, %dma_start3A_49] : memref<63x128xi32, #tpu.memory_space<vmem>> -> memref<1x128xi32, #tpu.memory_space<vmem>>
          %dma_start3A_51 = tpu.memref_squeeze %dma_start3A_50 : memref<1x128xi32, #tpu.memory_space<vmem>> -> memref<128xi32, #tpu.memory_space<vmem>>
          %dma_start3A_52 = arith.constant 0 : i32
          %dma_start3A_53 = arith.constant 0 : i32
          %dma_start3A_54 = tpu.memref_slice %arg2[%dma_start3A_52, %dma_start3A_53] : memref<10000x16xf32, #tpu.memory_space<hbm>> -> memref<10000x16xf32, #tpu.memory_space<hbm>>
          tpu.enqueue_indirect_dma source(%dma_start3A_54 : memref<10000x16xf32, #tpu.memory_space<hbm>>) target(%dma_start3A_48 : memref<128x16xf32, #tpu.memory_space<vmem>>) offsets(%dma_start3A_51 : memref<128xi32, #tpu.memory_space<vmem>>) semaphore(%arg11 : memref<!tpu.dma_semaphore, #tpu.memory_space<semaphore_mem>>)
        } else {
        }
      }
      %scan3A_27 = arith.constant 8 : i32
      %scan3A_28 = arith.constant 0 : i32
      %scan3A_29 = arith.constant 0 : i32
      %scan3A_30 = arith.constant 17 : i32
      %scan3A_31 = arith.addi %scan3A_29, %scan3A_30 : i32
      %scan3A_32 = arith.constant 1 : i32
      scf.for %scan3A_40 = %scan3A_29 to %scan3A_31 step %scan3A_32  : i32 {
        %and3A = arith.constant 15 : i32
        %and3A_41 = arith.andi %scan3A_40, %and3A : i32
        %dma_wait3A = arith.constant 0 : i32
        %dma_wait3A_42 = arith.constant 0 : i32
        %dma_wait3A_43 = tpu.memref_slice %arg8[%and3A_41, %dma_wait3A, %dma_wait3A_42] : memref<16x128x16xf32, #tpu.memory_space<vmem>> -> memref<1x128x16xf32, #tpu.memory_space<vmem>>
        %dma_wait3A_44 = tpu.memref_squeeze %dma_wait3A_43 : memref<1x128x16xf32, #tpu.memory_space<vmem>> -> memref<128x16xf32, #tpu.memory_space<vmem>>
        %dma_wait3A_45 = arith.constant 0 : i32
        %dma_wait3A_46 = tpu.memref_slice %arg6[%scan3A_40, %dma_wait3A_45] : memref<63x128xi32, #tpu.memory_space<vmem>> -> memref<1x128xi32, #tpu.memory_space<vmem>>
        %dma_wait3A_47 = tpu.memref_squeeze %dma_wait3A_46 : memref<1x128xi32, #tpu.memory_space<vmem>> -> memref<128xi32, #tpu.memory_space<vmem>>
        %dma_wait3A_48 = arith.constant 0 : i32
        %dma_wait3A_49 = arith.constant 0 : i32
        %dma_wait3A_50 = tpu.memref_slice %arg2[%dma_wait3A_48, %dma_wait3A_49] : memref<10000x16xf32, #tpu.memory_space<hbm>> -> memref<10000x16xf32, #tpu.memory_space<hbm>>
        tpu.wait_indirect_dma semaphore(%arg11 : memref<!tpu.dma_semaphore, #tpu.memory_space<semaphore_mem>>) src(%dma_wait3A_50 : memref<10000x16xf32, #tpu.memory_space<hbm>>) dst(%dma_wait3A_44 : memref<128x16xf32, #tpu.memory_space<vmem>>)
        %dma_start3A = arith.constant 0 : i32
        %dma_start3A_51 = arith.constant 0 : i32
        %dma_start3A_52 = tpu.memref_slice %arg8[%and3A_41, %dma_start3A, %dma_start3A_51] : memref<16x128x16xf32, #tpu.memory_space<vmem>> -> memref<1x128x16xf32, #tpu.memory_space<vmem>>
        %dma_start3A_53 = tpu.memref_squeeze %dma_start3A_52 : memref<1x128x16xf32, #tpu.memory_space<vmem>> -> memref<128x16xf32, #tpu.memory_space<vmem>>
        %dma_start3A_54 = arith.constant 0 : i32
        %dma_start3A_55 = tpu.memref_slice %arg7[%scan3A_40, %dma_start3A_54] : memref<63x128xi32, #tpu.memory_space<vmem>> -> memref<1x128xi32, #tpu.memory_space<vmem>>
        %dma_start3A_56 = tpu.memref_squeeze %dma_start3A_55 : memref<1x128xi32, #tpu.memory_space<vmem>> -> memref<128xi32, #tpu.memory_space<vmem>>
        %dma_start3A_57 = arith.constant 0 : i32
        %dma_start3A_58 = arith.constant 0 : i32
        %dma_start3A_59 = tpu.memref_slice %arg10[%dma_start3A_57, %dma_start3A_58] : memref<10016x16xf32, #tpu.memory_space<vmem_shared>> -> memref<10016x16xf32, #tpu.memory_space<vmem_shared>>
        tpu.enqueue_indirect_dma source(%dma_start3A_53 : memref<128x16xf32, #tpu.memory_space<vmem>>) target(%dma_start3A_59 : memref<10016x16xf32, #tpu.memory_space<vmem_shared>>) offsets(%dma_start3A_56 : memref<128xi32, #tpu.memory_space<vmem>>) semaphore(%arg12 : memref<!tpu.dma_semaphore, #tpu.memory_space<semaphore_mem>>) {add = true}
        %ge3A = arith.constant 8 : i32
        %ge3A_60 = arith.cmpi sge, %scan3A_40, %ge3A : i32
        %convert_element_type3A_61 = arith.extui %ge3A_60 : i1 to i32
        %cond3A_62 = arith.constant 0 : i32
        %cond3A_63 = arith.cmpi ne, %convert_element_type3A_61, %cond3A_62 : i32
        scf.if %cond3A_63 {
          %sub3A = arith.constant 8 : i32
          %sub3A_70 = arith.subi %scan3A_40, %sub3A : i32
          %and3A_71 = arith.constant 15 : i32
          %and3A_72 = arith.andi %sub3A_70, %and3A_71 : i32
          %dma_wait3A_73 = arith.constant 0 : i32
          %dma_wait3A_74 = arith.constant 0 : i32
          %dma_wait3A_75 = tpu.memref_slice %arg8[%and3A_72, %dma_wait3A_73, %dma_wait3A_74] : memref<16x128x16xf32, #tpu.memory_space<vmem>> -> memref<1x128x16xf32, #tpu.memory_space<vmem>>
          %dma_wait3A_76 = tpu.memref_squeeze %dma_wait3A_75 : memref<1x128x16xf32, #tpu.memory_space<vmem>> -> memref<128x16xf32, #tpu.memory_space<vmem>>
          %dma_wait3A_77 = arith.constant 0 : i32
          %dma_wait3A_78 = tpu.memref_slice %arg7[%sub3A_70, %dma_wait3A_77] : memref<63x128xi32, #tpu.memory_space<vmem>> -> memref<1x128xi32, #tpu.memory_space<vmem>>
          %dma_wait3A_79 = tpu.memref_squeeze %dma_wait3A_78 : memref<1x128xi32, #tpu.memory_space<vmem>> -> memref<128xi32, #tpu.memory_space<vmem>>
          %dma_wait3A_80 = arith.constant 0 : i32
          %dma_wait3A_81 = arith.constant 0 : i32
          %dma_wait3A_82 = tpu.memref_slice %arg10[%dma_wait3A_80, %dma_wait3A_81] : memref<10016x16xf32, #tpu.memory_space<vmem_shared>> -> memref<10016x16xf32, #tpu.memory_space<vmem_shared>>
          tpu.wait_indirect_dma semaphore(%arg12 : memref<!tpu.dma_semaphore, #tpu.memory_space<semaphore_mem>>) src(%dma_wait3A_76 : memref<128x16xf32, #tpu.memory_space<vmem>>) dst(%dma_wait3A_82 : memref<10016x16xf32, #tpu.memory_space<vmem_shared>>)
        } else {
        }
        %add3A_64 = arith.constant 8 : i32
        %add3A_65 = arith.addi %scan3A_40, %add3A_64 : i32
        %lt3A = arith.constant 17 : i32
        %lt3A_66 = arith.cmpi slt, %add3A_65, %lt3A : i32
        %convert_element_type3A_67 = arith.extui %lt3A_66 : i1 to i32
        %cond3A_68 = arith.constant 0 : i32
        %cond3A_69 = arith.cmpi ne, %convert_element_type3A_67, %cond3A_68 : i32
        scf.if %cond3A_69 {
          %and3A_70 = arith.constant 15 : i32
          %and3A_71 = arith.andi %add3A_65, %and3A_70 : i32
          %dma_start3A_72 = arith.constant 0 : i32
          %dma_start3A_73 = arith.constant 0 : i32
          %dma_start3A_74 = tpu.memref_slice %arg8[%and3A_71, %dma_start3A_72, %dma_start3A_73] : memref<16x128x16xf32, #tpu.memory_space<vmem>> -> memref<1x128x16xf32, #tpu.memory_space<vmem>>
          %dma_start3A_75 = tpu.memref_squeeze %dma_start3A_74 : memref<1x128x16xf32, #tpu.memory_space<vmem>> -> memref<128x16xf32, #tpu.memory_space<vmem>>
          %dma_start3A_76 = arith.constant 0 : i32
          %dma_start3A_77 = tpu.memref_slice %arg6[%add3A_65, %dma_start3A_76] : memref<63x128xi32, #tpu.memory_space<vmem>> -> memref<1x128xi32, #tpu.memory_space<vmem>>
          %dma_start3A_78 = tpu.memref_squeeze %dma_start3A_77 : memref<1x128xi32, #tpu.memory_space<vmem>> -> memref<128xi32, #tpu.memory_space<vmem>>
          %dma_start3A_79 = arith.constant 0 : i32
          %dma_start3A_80 = arith.constant 0 : i32
          %dma_start3A_81 = tpu.memref_slice %arg2[%dma_start3A_79, %dma_start3A_80] : memref<10000x16xf32, #tpu.memory_space<hbm>> -> memref<10000x16xf32, #tpu.memory_space<hbm>>
          tpu.enqueue_indirect_dma source(%dma_start3A_81 : memref<10000x16xf32, #tpu.memory_space<hbm>>) target(%dma_start3A_75 : memref<128x16xf32, #tpu.memory_space<vmem>>) offsets(%dma_start3A_78 : memref<128xi32, #tpu.memory_space<vmem>>) semaphore(%arg11 : memref<!tpu.dma_semaphore, #tpu.memory_space<semaphore_mem>>)
        } else {
        }
      }
      %scan3A_33 = arith.constant 17 : i32
      %scan3A_34 = arith.constant 0 : i32
      %scan3A_35 = arith.constant 9 : i32
      %scan3A_36 = arith.constant 8 : i32
      %scan3A_37 = arith.addi %scan3A_35, %scan3A_36 : i32
      %scan3A_38 = arith.constant 1 : i32
      scf.for %scan3A_40 = %scan3A_35 to %scan3A_37 step %scan3A_38  : i32 {
        %and3A = arith.constant 15 : i32
        %and3A_41 = arith.andi %scan3A_40, %and3A : i32
        %dma_wait3A = arith.constant 0 : i32
        %dma_wait3A_42 = arith.constant 0 : i32
        %dma_wait3A_43 = tpu.memref_slice %arg8[%and3A_41, %dma_wait3A, %dma_wait3A_42] : memref<16x128x16xf32, #tpu.memory_space<vmem>> -> memref<1x128x16xf32, #tpu.memory_space<vmem>>
        %dma_wait3A_44 = tpu.memref_squeeze %dma_wait3A_43 : memref<1x128x16xf32, #tpu.memory_space<vmem>> -> memref<128x16xf32, #tpu.memory_space<vmem>>
        %dma_wait3A_45 = arith.constant 0 : i32
        %dma_wait3A_46 = tpu.memref_slice %arg7[%scan3A_40, %dma_wait3A_45] : memref<63x128xi32, #tpu.memory_space<vmem>> -> memref<1x128xi32, #tpu.memory_space<vmem>>
        %dma_wait3A_47 = tpu.memref_squeeze %dma_wait3A_46 : memref<1x128xi32, #tpu.memory_space<vmem>> -> memref<128xi32, #tpu.memory_space<vmem>>
        %dma_wait3A_48 = arith.constant 0 : i32
        %dma_wait3A_49 = arith.constant 0 : i32
        %dma_wait3A_50 = tpu.memref_slice %arg10[%dma_wait3A_48, %dma_wait3A_49] : memref<10016x16xf32, #tpu.memory_space<vmem_shared>> -> memref<10016x16xf32, #tpu.memory_space<vmem_shared>>
        tpu.wait_indirect_dma semaphore(%arg12 : memref<!tpu.dma_semaphore, #tpu.memory_space<semaphore_mem>>) src(%dma_wait3A_44 : memref<128x16xf32, #tpu.memory_space<vmem>>) dst(%dma_wait3A_50 : memref<10016x16xf32, #tpu.memory_space<vmem_shared>>)
      }
      %scan3A_39 = arith.constant 8 : i32
    } else {
    }
    %barrier3A_13 = arith.constant 0 : index
    tpu.barrier barrier_id(%barrier3A_13)
    %eq3A_14 = arith.constant 0 : i32
    %eq3A_15 = arith.cmpi eq, %arg1, %eq3A_14 : i32
    %convert_element_type3A_16 = arith.extui %eq3A_15 : i1 to i32
    %cond3A_17 = arith.constant 0 : i32
    %cond3A_18 = arith.cmpi ne, %convert_element_type3A_16, %cond3A_17 : i32
    scf.if %cond3A_18 {
      "tpu.region"() ({
        %run_scoped3A = tpu.sem_alloc : memref<!tpu.dma_semaphore, #tpu.memory_space<semaphore_mem>>
        %dma_start3A = arith.constant 0 : i32
        %dma_start3A_19 = arith.constant 0 : i32
        %dma_start3A_20 = tpu.memref_slice %arg5[%arg0, %dma_start3A, %dma_start3A_19] : memref<2x10000x16xf32, #tpu.memory_space<hbm>> -> memref<1x10000x16xf32, #tpu.memory_space<hbm>>
        %dma_start3A_21 = tpu.memref_squeeze %dma_start3A_20 : memref<1x10000x16xf32, #tpu.memory_space<hbm>> -> memref<10000x16xf32, #tpu.memory_space<hbm>>
        %dma_start3A_22 = arith.constant 0 : i32
        %dma_start3A_23 = arith.constant 0 : i32
        %dma_start3A_24 = tpu.memref_slice %arg10[%dma_start3A_22, %dma_start3A_23] : memref<10016x16xf32, #tpu.memory_space<vmem_shared>> -> memref<10000x16xf32, #tpu.memory_space<vmem_shared>>
        tpu.enqueue_dma source(%dma_start3A_24 : memref<10000x16xf32, #tpu.memory_space<vmem_shared>>) target(%dma_start3A_21 : memref<10000x16xf32, #tpu.memory_space<hbm>>) target_semaphore(%run_scoped3A : memref<!tpu.dma_semaphore, #tpu.memory_space<semaphore_mem>>)
        %dma_wait3A = arith.constant 0 : i32
        %dma_wait3A_25 = arith.constant 0 : i32
        %dma_wait3A_26 = tpu.memref_slice %arg5[%arg0, %dma_wait3A, %dma_wait3A_25] : memref<2x10000x16xf32, #tpu.memory_space<hbm>> -> memref<1x10000x16xf32, #tpu.memory_space<hbm>>
        %dma_wait3A_27 = tpu.memref_squeeze %dma_wait3A_26 : memref<1x10000x16xf32, #tpu.memory_space<hbm>> -> memref<10000x16xf32, #tpu.memory_space<hbm>>
        %dma_wait3A_28 = arith.constant 0 : i32
        %dma_wait3A_29 = arith.constant 0 : i32
        %dma_wait3A_30 = tpu.memref_slice %arg10[%dma_wait3A_28, %dma_wait3A_29] : memref<10016x16xf32, #tpu.memory_space<vmem_shared>> -> memref<10000x16xf32, #tpu.memory_space<vmem_shared>>
        tpu.wait_dma2 semaphore(%run_scoped3A : memref<!tpu.dma_semaphore, #tpu.memory_space<semaphore_mem>>) src(%dma_wait3A_30 : memref<10000x16xf32, #tpu.memory_space<vmem_shared>>) dst(%dma_wait3A_27 : memref<10000x16xf32, #tpu.memory_space<hbm>>)
        tpu.yield
      }) : () -> ()
    } else {
    }
    return
  }
}

module attributes {stable_mosaic.version = 14 : i64} {
  func.func @_mm_body(%arg0: i32, %arg1: memref<5000x256xf32, #tpu.memory_space<vmem>>, %arg2: memref<256x16xf32, #tpu.memory_space<vmem>>, %arg3: memref<1x5000x16xf32, #tpu.memory_space<vmem>>, %arg4: memref<1x5000x16xf32, #tpu.memory_space<vmem>>, %arg5: memref<5000x16xf32, #tpu.memory_space<vmem>>) attributes {dimension_semantics = [#tpu.dimension_semantics<arbitrary>], iteration_bounds = array<i64: 2>, scalar_prefetch = 0 : i64, scratch_operands = 0 : i64, tpu.core_type = #tpu.core_type<tc>, window_params = [{transform_indices = @transform_0, window_bounds = array<i64: 5000, 256>}, {pipeline_mode = #tpu.pipeline_mode<synchronous>, transform_indices = @transform_1, window_bounds = array<i64: 256, 16>}, {transform_indices = @transform_2, window_bounds = array<i64: 1, 5000, 16>}, {transform_indices = @transform_3, window_bounds = array<i64: 1, 5000, 16>}, {transform_indices = @transform_4, window_bounds = array<i64: 5000, 16>}]} {
    %get3A = arith.constant 0 : index
    %get3A_0 = arith.constant 0 : index
    %get3A_1 = arith.constant 0 : index
    %get3A_2 = vector.load %arg3[%get3A, %get3A_0, %get3A_1] : memref<1x5000x16xf32, #tpu.memory_space<vmem>>, vector<1x5000x16xf32>
    %get3A_3 = vector.shape_cast %get3A_2 : vector<1x5000x16xf32> to vector<5000x16xf32>
    %get3A_4 = arith.constant 0 : index
    %get3A_5 = arith.constant 0 : index
    %get3A_6 = arith.constant 0 : index
    %get3A_7 = vector.load %arg4[%get3A_4, %get3A_5, %get3A_6] : memref<1x5000x16xf32, #tpu.memory_space<vmem>>, vector<1x5000x16xf32>
    %get3A_8 = vector.shape_cast %get3A_7 : vector<1x5000x16xf32> to vector<5000x16xf32>
    %add3A = arith.addf %get3A_3, %get3A_8 : vector<5000x16xf32>
    %add3A_9 = arith.constant 1.000000e+00 : f32
    %add3A_10 = vector.broadcast %add3A_9 : f32 to vector<5000x16xf32>
    %add3A_11 = arith.addf %add3A, %add3A_10 : vector<5000x16xf32>
    %rsqrt3A = math.rsqrt %add3A_11 : vector<5000x16xf32>
    %get3A_12 = arith.constant 0 : index
    %get3A_13 = arith.constant 0 : index
    %get3A_14 = vector.load %arg1[%get3A_12, %get3A_13] : memref<5000x256xf32, #tpu.memory_space<vmem>>, vector<5000x256xf32>
    %get3A_15 = arith.constant 0 : index
    %get3A_16 = arith.constant 0 : index
    %get3A_17 = vector.load %arg2[%get3A_15, %get3A_16] : memref<256x16xf32, #tpu.memory_space<vmem>>, vector<256x16xf32>
    %dot_general3A = arith.constant dense<0.000000e+00> : vector<5000x16xf32>
    %dot_general3A_18 = tpu.matmul %get3A_14, %get3A_17, %dot_general3A {dimension_numbers = #tpu.dot_dimension_numbers<[1], [0], [0], [1], [0, 0, 1, 1], [], []>, transpose_lhs_hint = false} : vector<5000x256xf32>, vector<256x16xf32>, vector<5000x16xf32> -> vector<5000x16xf32>
    %mul3A = arith.mulf %dot_general3A_18, %rsqrt3A : vector<5000x16xf32>
    %swap3A = arith.constant 0 : index
    %swap3A_19 = arith.constant 0 : index
    %swap3A_20 = vector.load %arg5[%swap3A, %swap3A_19] : memref<5000x16xf32, #tpu.memory_space<vmem>>, vector<5000x16xf32>
    tpu.vector_store %arg5[%swap3A, %swap3A_19], %mul3A {strides = array<i32>} : memref<5000x16xf32, #tpu.memory_space<vmem>>, vector<5000x16xf32>,
    return
  }
  func.func @transform_0(%arg0: i32) -> (i32, i32) {
    %c0_i32 = arith.constant 0 : i32
    %c0_i32_0 = arith.constant 0 : i32
    return %arg0, %c0_i32 : i32, i32
  }
  func.func @transform_1(%arg0: i32) -> (i32, i32) {
    %c0_i32 = arith.constant 0 : i32
    %c0_i32_0 = arith.constant 0 : i32
    %c0_i32_1 = arith.constant 0 : i32
    return %c0_i32, %c0_i32_0 : i32, i32
  }
  func.func @transform_2(%arg0: i32) -> (i32, i32, i32) {
    %c0_i32 = arith.constant 0 : i32
    %c0_i32_0 = arith.constant 0 : i32
    %c0_i32_1 = arith.constant 0 : i32
    return %c0_i32, %arg0, %c0_i32_0 : i32, i32, i32
  }
  func.func @transform_3(%arg0: i32) -> (i32, i32, i32) {
    %c1_i32 = arith.constant 1 : i32
    %c0_i32 = arith.constant 0 : i32
    %c0_i32_0 = arith.constant 0 : i32
    return %c1_i32, %arg0, %c0_i32 : i32, i32, i32
  }
  func.func @transform_4(%arg0: i32) -> (i32, i32) {
    %c0_i32 = arith.constant 0 : i32
    %c0_i32_0 = arith.constant 0 : i32
    return %arg0, %c0_i32 : i32, i32
  }
}

module attributes {stable_mosaic.version = 14 : i64} {
  func.func @_final_body(%arg0: i32, %arg1: memref<1x1250x128xf32, #tpu.memory_space<vmem>>, %arg2: memref<1x1250x128xf32, #tpu.memory_space<vmem>>, %arg3: memref<1x1250x128xf32, #tpu.memory_space<vmem>>, %arg4: memref<1x1250x128xf32, #tpu.memory_space<vmem>>, %arg5: memref<1250x128xf32, #tpu.memory_space<vmem>>, %arg6: memref<1x128xf32, #tpu.memory_space<vmem>>, %arg7: memref<128x128xf32, #tpu.memory_space<vmem>>, %arg8: memref<1250x128xf32, #tpu.memory_space<vmem>>) attributes {dimension_semantics = [#tpu.dimension_semantics<arbitrary>], iteration_bounds = array<i64: 1>, scalar_prefetch = 0 : i64, scratch_operands = 0 : i64, tpu.core_type = #tpu.core_type<tc>, window_params = [{transform_indices = @transform_0, window_bounds = array<i64: 1, 1250, 128>}, {transform_indices = @transform_1, window_bounds = array<i64: 1, 1250, 128>}, {transform_indices = @transform_2, window_bounds = array<i64: 1, 1250, 128>}, {transform_indices = @transform_3, window_bounds = array<i64: 1, 1250, 128>}, {pipeline_mode = #tpu.pipeline_mode<synchronous>, transform_indices = @transform_4, window_bounds = array<i64: 1250, 128>}, {pipeline_mode = #tpu.pipeline_mode<synchronous>, transform_indices = @transform_5, window_bounds = array<i64: 1, 128>}, {pipeline_mode = #tpu.pipeline_mode<synchronous>, transform_indices = @transform_6, window_bounds = array<i64: 128, 128>}, {pipeline_mode = #tpu.pipeline_mode<synchronous>, transform_indices = @transform_7, window_bounds = array<i64: 1250, 128>}]} {
    %get3A = arith.constant 0 : index
    %get3A_0 = arith.constant 0 : index
    %get3A_1 = arith.constant 0 : index
    %get3A_2 = vector.load %arg3[%get3A, %get3A_0, %get3A_1] : memref<1x1250x128xf32, #tpu.memory_space<vmem>>, vector<1x1250x128xf32>
    %get3A_3 = vector.shape_cast %get3A_2 : vector<1x1250x128xf32> to vector<1250x128xf32>
    %get3A_4 = arith.constant 0 : index
    %get3A_5 = arith.constant 0 : index
    %get3A_6 = arith.constant 0 : index
    %get3A_7 = vector.load %arg4[%get3A_4, %get3A_5, %get3A_6] : memref<1x1250x128xf32, #tpu.memory_space<vmem>>, vector<1x1250x128xf32>
    %get3A_8 = vector.shape_cast %get3A_7 : vector<1x1250x128xf32> to vector<1250x128xf32>
    %add3A = arith.addf %get3A_3, %get3A_8 : vector<1250x128xf32>
    %add3A_9 = arith.constant 1.000000e+00 : f32
    %add3A_10 = vector.broadcast %add3A_9 : f32 to vector<1250x128xf32>
    %add3A_11 = arith.addf %add3A, %add3A_10 : vector<1250x128xf32>
    %rsqrt3A = math.rsqrt %add3A_11 : vector<1250x128xf32>
    %get3A_12 = arith.constant 0 : index
    %get3A_13 = arith.constant 0 : index
    %get3A_14 = arith.constant 0 : index
    %get3A_15 = vector.load %arg1[%get3A_12, %get3A_13, %get3A_14] : memref<1x1250x128xf32, #tpu.memory_space<vmem>>, vector<1x1250x128xf32>
    %get3A_16 = vector.shape_cast %get3A_15 : vector<1x1250x128xf32> to vector<1250x128xf32>
    %get3A_17 = arith.constant 0 : index
    %get3A_18 = arith.constant 0 : index
    %get3A_19 = arith.constant 0 : index
    %get3A_20 = vector.load %arg2[%get3A_17, %get3A_18, %get3A_19] : memref<1x1250x128xf32, #tpu.memory_space<vmem>>, vector<1x1250x128xf32>
    %get3A_21 = vector.shape_cast %get3A_20 : vector<1x1250x128xf32> to vector<1250x128xf32>
    %add3A_22 = arith.addf %get3A_16, %get3A_21 : vector<1250x128xf32>
    %mul3A = arith.mulf %add3A_22, %rsqrt3A : vector<1250x128xf32>
    %get3A_23 = arith.constant 0 : index
    %get3A_24 = arith.constant 0 : index
    %get3A_25 = vector.load %arg5[%get3A_23, %get3A_24] : memref<1250x128xf32, #tpu.memory_space<vmem>>, vector<1250x128xf32>
    %mul3A_26 = arith.mulf %get3A_25, %rsqrt3A : vector<1250x128xf32>
    %add3A_27 = arith.addf %mul3A, %mul3A_26 : vector<1250x128xf32>
    %get3A_28 = arith.constant 0 : index
    %get3A_29 = arith.constant 0 : index
    %get3A_30 = vector.load %arg6[%get3A_28, %get3A_29] : memref<1x128xf32, #tpu.memory_space<vmem>>, vector<1x128xf32>
    %add3A_31 = vector.broadcast %get3A_30 : vector<1x128xf32> to vector<1250x128xf32>
    %add3A_32 = arith.addf %add3A_27, %add3A_31 : vector<1250x128xf32>
    %iota3A = tpu.iota {dimensions = array<i32: 1>} : vector<1250x128xi32>
    %and3A = arith.constant 15 : i32
    %and3A_33 = vector.broadcast %and3A : i32 to vector<1250x128xi32>
    %and3A_34 = arith.andi %iota3A, %and3A_33 : vector<1250x128xi32>
    %lt3A = arith.constant 7 : i32
    %lt3A_35 = vector.broadcast %lt3A : i32 to vector<1250x128xi32>
    %lt3A_36 = arith.cmpi slt, %and3A_34, %lt3A_35 : vector<1250x128xi32>
    %jit3A = arith.constant 0xFF800000 : f32
    %broadcast_in_dim3A = vector.broadcast %jit3A : f32 to vector<1250x128xf32>
    %select_n3A = arith.select %lt3A_36, %add3A_32, %broadcast_in_dim3A : vector<1250x128xi1>, vector<1250x128xf32>
    %reduce_max3A = vector.shape_cast %select_n3A : vector<1250x128xf32> to vector<1x1250x128xf32>
    %reduce_max3A_37 = arith.constant dense<0xFF800000> : vector<1xf32>
    %reduce_max3A_38 = vector.multi_reduction <maximumf>, %reduce_max3A, %reduce_max3A_37 [1, 2] : vector<1x1250x128xf32> to vector<1xf32>
    %reduce_max3A_39 = vector.shape_cast %reduce_max3A_38 : vector<1xf32> to vector<1x1x1xf32>
    %reduce_max3A_40 = vector.extract %reduce_max3A_39[0, 0, 0] : f32 from vector<1x1x1xf32>
    %sub3A = vector.broadcast %reduce_max3A_40 : f32 to vector<1250x128xf32>
    %sub3A_41 = arith.subf %select_n3A, %sub3A : vector<1250x128xf32>
    %exp3A = math.exp %sub3A_41 : vector<1250x128xf32>
    %get3A_42 = arith.constant 0 : index
    %get3A_43 = arith.constant 0 : index
    %get3A_44 = vector.load %arg7[%get3A_42, %get3A_43] : memref<128x128xf32, #tpu.memory_space<vmem>>, vector<128x128xf32>
    %dot_general3A = arith.constant dense<0.000000e+00> : vector<1250x128xf32>
    %dot_general3A_45 = tpu.matmul %exp3A, %get3A_44, %dot_general3A {dimension_numbers = #tpu.dot_dimension_numbers<[1], [0], [0], [1], [0, 0, 1, 1], [], []>, transpose_lhs_hint = false} : vector<1250x128xf32>, vector<128x128xf32>, vector<1250x128xf32> -> vector<1250x128xf32>
    %sub3A_46 = vector.broadcast %reduce_max3A_40 : f32 to vector<1250x128xf32>
    %sub3A_47 = arith.subf %select_n3A, %sub3A_46 : vector<1250x128xf32>
    %log3A = math.log %dot_general3A_45 : vector<1250x128xf32>
    %sub3A_48 = arith.subf %sub3A_47, %log3A : vector<1250x128xf32>
    %swap3A = arith.constant 0 : index
    %swap3A_49 = arith.constant 0 : index
    %swap3A_50 = vector.load %arg8[%swap3A, %swap3A_49] : memref<1250x128xf32, #tpu.memory_space<vmem>>, vector<1250x128xf32>
    tpu.vector_store %arg8[%swap3A, %swap3A_49], %sub3A_48 {strides = array<i32>} : memref<1250x128xf32, #tpu.memory_space<vmem>>, vector<1250x128xf32>,
    return
  }
  func.func @transform_0(%arg0: i32) -> (i32, i32, i32) {
    %c0_i32 = arith.constant 0 : i32
    %c0_i32_0 = arith.constant 0 : i32
    %c0_i32_1 = arith.constant 0 : i32
    %c0_i32_2 = arith.constant 0 : i32
    return %c0_i32, %c0_i32_0, %c0_i32_1 : i32, i32, i32
  }
  func.func @transform_1(%arg0: i32) -> (i32, i32, i32) {
    %c1_i32 = arith.constant 1 : i32
    %c0_i32 = arith.constant 0 : i32
    %c0_i32_0 = arith.constant 0 : i32
    %c0_i32_1 = arith.constant 0 : i32
    return %c1_i32, %c0_i32, %c0_i32_0 : i32, i32, i32
  }
  func.func @transform_2(%arg0: i32) -> (i32, i32, i32) {
    %c0_i32 = arith.constant 0 : i32
    %c0_i32_0 = arith.constant 0 : i32
    %c0_i32_1 = arith.constant 0 : i32
    %c0_i32_2 = arith.constant 0 : i32
    return %c0_i32, %c0_i32_0, %c0_i32_1 : i32, i32, i32
  }
  func.func @transform_3(%arg0: i32) -> (i32, i32, i32) {
    %c1_i32 = arith.constant 1 : i32
    %c0_i32 = arith.constant 0 : i32
    %c0_i32_0 = arith.constant 0 : i32
    %c0_i32_1 = arith.constant 0 : i32
    return %c1_i32, %c0_i32, %c0_i32_0 : i32, i32, i32
  }
  func.func @transform_4(%arg0: i32) -> (i32, i32) {
    %c0_i32 = arith.constant 0 : i32
    %c0_i32_0 = arith.constant 0 : i32
    %c0_i32_1 = arith.constant 0 : i32
    return %c0_i32, %c0_i32_0 : i32, i32
  }
  func.func @transform_5(%arg0: i32) -> (i32, i32) {
    %c0_i32 = arith.constant 0 : i32
    %c0_i32_0 = arith.constant 0 : i32
    %c0_i32_1 = arith.constant 0 : i32
    return %c0_i32, %c0_i32_0 : i32, i32
  }
  func.func @transform_6(%arg0: i32) -> (i32, i32) {
    %c0_i32 = arith.constant 0 : i32
    %c0_i32_0 = arith.constant 0 : i32
    %c0_i32_1 = arith.constant 0 : i32
    return %c0_i32, %c0_i32_0 : i32, i32
  }
  func.func @transform_7(%arg0: i32) -> (i32, i32) {
    %c0_i32 = arith.constant 0 : i32
    %c0_i32_0 = arith.constant 0 : i32
    %c0_i32_1 = arith.constant 0 : i32
    return %c0_i32, %c0_i32_0 : i32, i32
  }
}

</mosaic_0001>

<sc_bundles>
// kernel: kernel.6.cloned.1.call-start
scs
__scs_entry_jumppad:
0x0: {  	(pc) =	sbr.rel $0x88, $3  }
0x1: {  	(tag) =	ssettag $0x0;
	lr =	simm.s32 $0x1  }
0x2: {  	[smem:$0x3F9D] =	sst lr;
	_ =	strace $0xD0000000  }
0x3: {  	_ = 	snop  }
0x4: {  	_ = 	snop  }
0x5: {  	_ = 	snop  }
0x6: {  	_ = 	snop  }
0x7: {  	_ = 	snop  }
__scs_overlays_trampoline_lowered:
0x8: {  	[smem:$0x3FAC] =	sst s0  }
0x9: {  	[smem:$0x3FAD] =	sst s1  }
0xa: {  	[smem:$0x3FAE] =	sst s2  }
0xb: {  	[smem:$0x3FAF] =	sst s3  }
0xc: {  	[smem:$0x3FB0] =	sst s4  }
0xd: {  	[smem:$0x3FB1] =	sst s5  }
0xe: {  	[smem:$0x3FB2] =	sst s6  }
0xf: {  	[smem:$0x3FB3] =	sst s7  }
0x10: {  	[smem:$0x3FB4] =	sst s8  }
0x11: {  	[smem:$0x3FB5] =	sst s9;
	s0 =	simm.s32 @!p0 $0x0  }
0x12: {  	s1 =	sld [smem:$0x3F9B];
	s0 =	simm.s32 @p0 $0x1  }
0x13: {  	[smem:$0x3FB6] =	sst s0;
	s0 =	simm.s32 @!p1 $0x0  }
0x14: {  	s2 =	sld [smem:$0x3F9A];
	s0 =	simm.s32 @p1 $0x1  }
0x15: {  	[smem:$0x3FB7] =	sst s0;
	s0 =	simm.s32 @!p2 $0x0  }
0x16: {  	s3 =	sld [smem:$0x3FDB];
	s0 =	simm.s32 @p2 $0x1  }
0x17: {  	s4 =	simm.s32 $0x1BF5;
	[smem:$0x3FB9] =	sst s0  }
0x18: {  	s0 =	sld [smem:$0x3F9C];
	_ =	swait.ge [sflag:s4], $0x0  }
0x19: {  	s7 =	sld [smem:$0x3F9D]  }
0x1a: {  	s8 =	sadd.s32 $0xFFFFE003, lr  }
0x1b: {  	s9 =	sadd.s32 $0xFFFFFEF7, lr;
	s5 =	simm.s32 $0xFFFFFFFF;
	p2 =	slt.u32 s8, $0xFFFFF086  }
0x1c: {  	p1 =	slt.u32 s9, $0xF7A;
	s5 =	simm.s32 @!p2 $0x0  }
0x1d: {  	s5 =	simm.s32 @p1 $0x1;
	p0 =	seq.s32 s7, s2  }
0x1e: {  	s7 =	smul.u32 @!p0 $0xF7A, s2;
	p2 =	seq.s32 @!p0 s5, $0x0  }
0x1f: {  	s9 =	smul.u32 $0xF7A, s1;
	s8 =	simm.s32 @!p0 $0x1BF5;
	p2 =	por !p2, p0  }
0x20: {  	[sflag:s8] =	ssyncset.s32 @!p0 $0xFFFFF086;
	s6 =	sadd.s32 @!p0 s3, s7;
	s7 =	simm.s32 @!p0 $0x108  }
0x21: {  	s3 =	sadd.s32 s3, s9;
	s6 =	sadd.s32 @!p0 $0x88, s6;
	s7 =	simm.s32 @p2 $0x1082  }
0x22: {  	[simem:s7], [sflag:s8] =	dma.local @!p0 [hbm:s6], $0xF7A  }
0x23: {  	s9 =	sor.u32 $0xD0000000, s2;
	s6 =	simm.s32 $0x108;
	_ =	swait.ge @!p0 [sflag:s8], $0x0  }
0x24: {  	s3 =	sadd.s32 $0x88, s3;
	s6 =	simm.s32 @!p1 $0x1082;
	[sflag:s4] =	ssyncset.s32 $0xFFFFF086  }
0x25: {  	[simem:s6], [sflag:s4] =	dma.local [hbm:s3], $0xF7A  }
0x26: {  	[smem:$0x3F9D] =	sst s1;
	(tag) =	ssettag s2;
	_ =	strace s9  }
0x27: {  	s1 =	sld [smem:$0x3FAD]  }
0x28: {  	s2 =	sld [smem:$0x3FAE]  }
0x29: {  	s4 =	sld [smem:$0x3FB0]  }
0x2a: {  	p0 =	seq.s32 s5, $0x0;
	s5 =	sld [smem:$0x3FB1]  }
0x2b: {  	s6 =	sld [smem:$0x3FB2]  }
0x2c: {  	s7 =	sld [smem:$0x3FB3]  }
0x2d: {  	s3 =	simm.s32 $0x108;
	s8 =	sld [smem:$0x3FB4]  }
0x2e: {  	s3 =	simm.s32 @!p0 $0x1082;
	s9 =	sld [smem:$0x3FB5]  }
0x2f: {  	lr =	sadd.s32 s0, s3;
	s0 =	sld [smem:$0x3FAC]  }
0x30: {  	s3 =	sld [smem:$0x3FAF]  }
0x31: {  	[smem:$0x3FB8] =	sst s10  }
0x32: {  	s10 =	sld [smem:$0x3FB6];
	_ =	sdelay $0x3  }
0x33: {  	p0 =	seq.s32 s10, $0x1;
	s10 =	sld [smem:$0x3FB8];
	_ =	sdelay $0x3  }
0x34: {  	[smem:$0x3FB8] =	sst s10  }
0x35: {  	s10 =	sld [smem:$0x3FB7];
	_ =	sdelay $0x3  }
0x36: {  	p1 =	seq.s32 s10, $0x1;
	s10 =	sld [smem:$0x3FB8];
	_ =	sdelay $0x3  }
0x37: {  	[smem:$0x3FB8] =	sst s10  }
0x38: {  	s10 =	sld [smem:$0x3FB9]  }
0x39: {  	_ = 	snop;
	(pc) =	sbr.ind lr, $3  }
0x3a: {  	_ = 	snop  }
0x3b: {  	_ = 	snop  }
0x3c: {  	p2 =	seq.s32 s10, $0x1;
	s10 =	sld [smem:$0x3FB8]  }
0x3d: {  	_ =	shalt  }
0x3e: {  	_ =	shalt  }
0x3f: {  	_ =	shalt  }
0x40: {  	_ =	shalt  }
0x41: {  	_ =	shalt  }
0x42: {  	_ =	shalt  }
0x43: {  	_ =	shalt  }
0x44: {  	_ =	shalt  }
0x45: {  	_ =	shalt  }
0x46: {  	_ =	shalt  }
0x47: {  	_ =	shalt  }
0x48: {  	_ =	shalt  }
0x49: {  	_ =	shalt  }
0x4a: {  	_ =	shalt  }
0x4b: {  	_ =	shalt  }
0x4c: {  	_ =	shalt  }
0x4d: {  	_ =	shalt  }
0x4e: {  	_ =	shalt  }
0x4f: {  	_ =	shalt  }
0x50: {  	_ =	shalt  }
0x51: {  	_ =	shalt  }
0x52: {  	_ =	shalt  }
0x53: {  	_ =	shalt  }
0x54: {  	_ =	shalt  }
0x55: {  	_ =	shalt  }
0x56: {  	_ =	shalt  }
0x57: {  	_ =	shalt  }
0x58: {  	_ =	shalt  }
0x59: {  	_ =	shalt  }
0x5a: {  	_ =	shalt  }
0x5b: {  	_ =	shalt  }
0x5c: {  	_ =	shalt  }
0x5d: {  	_ =	shalt  }
0x5e: {  	_ =	shalt  }
0x5f: {  	_ =	shalt  }
0x60: {  	_ =	shalt  }
0x61: {  	_ =	shalt  }
0x62: {  	_ =	shalt  }
0x63: {  	_ =	shalt  }
0x64: {  	_ =	shalt  }
0x65: {  	_ =	shalt  }
0x66: {  	_ =	shalt  }
0x67: {  	_ =	shalt  }
0x68: {  	_ =	shalt  }
0x69: {  	_ =	shalt  }
0x6a: {  	_ =	shalt  }
0x6b: {  	_ =	shalt  }
0x6c: {  	_ =	shalt  }
0x6d: {  	_ =	shalt  }
0x6e: {  	_ =	shalt  }
0x6f: {  	_ =	shalt  }
0x70: {  	_ =	shalt  }
0x71: {  	_ =	shalt  }
0x72: {  	_ =	shalt  }
0x73: {  	_ =	shalt  }
0x74: {  	_ =	shalt  }
0x75: {  	_ =	shalt  }
0x76: {  	_ =	shalt  }
0x77: {  	_ =	shalt  }
0x78: {  	_ =	shalt  }
0x79: {  	_ =	shalt  }
0x7a: {  	_ =	shalt  }
0x7b: {  	_ =	shalt  }
0x7c: {  	_ =	shalt  }
0x7d: {  	_ =	shalt  }
0x7e: {  	_ =	shalt  }
0x7f: {  	_ =	shalt  }
0x80: {  	_ =	shalt  }
0x81: {  	_ =	shalt  }
0x82: {  	_ =	shalt  }
0x83: {  	_ =	shalt  }
0x84: {  	_ =	shalt  }
0x85: {  	_ =	shalt  }
0x86: {  	_ =	shalt  }
0x87: {  	_ =	shalt  }
.Lfunc_end0:
.L_simem_size_0:
called_computation_lowered:
.L_overlay_start_0:
0x88: {  	s2 =	sld [smem:$0x3FD9]  }
0x89: {  	s3 =	sld [smem:$0x3FFE];
	_ =	sdelay $0x1  }
0x8a: {  	s1 =	srdreg.scid  }
0x8b: {  	s0 =	sand.u32 $0x1, s1  }
0x8c: {  	s16 =	sshll.u32 s0, $0xA;
	s2 =	sadd.s32 s3, s2  }
0x8d: {  	s2 =	sadd.s32 s2, s16  }
0x8e: {  	[smem:$0x3FC4] =	sst s2  }
0x8f: {  	_ = 	snop  }
0x90: {  	(tm) =	ssettm $0x1  }
0x91: {  	s17 =	sld [smem:$0x3FFB];
	_ =	sdelay $0x3  }
0x92: {  	_ =	strace s17  }
0x93: {  	s2 =	sld [smem:$0x3FFC];
	_ =	sdelay $0x3  }
0x94: {  	_ =	strace s2  }
0x95: {  	s2 =	sld [smem:$0x3FFD];
	_ =	sdelay $0x3  }
0x96: {  	_ =	strace s2  }
0x97: {  	_ =	strace $0x8FFFFFFF  }
0x98: {  	s18 =	sld [smem:$0x3FDB];
	_ =	sdelay $0x1  }
0x99: {  	s19 =	simm.s32 $_scs_section_size  }
0x9a: {  	s4 =	simm.s32 $_size__tile_overlayer_lowered;
	s5 =	simm.s32 $_tile_overlayer_lowered  }
0x9b: {  	s22 =	simm.s32 $0x1BFF;
	s21 =	sshll.u32 s5, $0x1;
	s2 =	sadd.s32 s19, s18  }
0x9c: {  	s6 =	simm.s32 $0x0;
	s20 =	sshll.u32 s4, $0x1;
	s4 =	sadd.s32 s21, s2  }
0x9d: {  	[timem:s6], [sflag:s22] =	dma.local [hbm:s4], s20  }
0x9e: {  	_ =	swait.ge [sflag:s22], s20  }
0x9f: {  	s3 =	ssub.s32 $0x0, s20;
	[sflag:s22] =	ssyncset.done $0x0  }
0xa0: {  	[sflag:s22] =	ssyncadd.s32 s3;
	_ =	sdelay $0x1  }
0xa1: {  	s23 =	simm.s32 $0x1B8B  }
0xa2: {  	_ =	swait.ge [sflag:s23], $0x1  }
0xa3: {  	[sflag:s23] =	ssyncset.done $0x0  }
0xa4: {  	s25 =	simm.s32 $0x1B8E;
	s24 =	sld [smem:$0x3FFE];
	[sflag:s23] =	ssyncadd.s32 $0xFFFFFFFF  }
0xa5: {  	s26 =	simm.s32 $execute0_lowered;
	[smem:$0x3FD2] =	sst s25  }
0xa6: {  	s4 =	sshll.u32 s26, $0x1;
	_ =	strace $0x80000046;
	[dreg:$0x1] =	wrdreg $0xFFFFFFFF  }
0xa7: {  	s28 =	simm.s32 $_size_execute0_lowered;
	s2 =	sadd.s32 s2, s4;
	[dreg:$0x0] =	wrdreg $0x0  }
0xa8: {  	s4 =	sshll.u32 s28, $0x1;
	[dreg:$0x2] =	wrdreg s2  }
0xa9: {  	[dreg:$0x3] =	wrdreg s4  }
0xaa: {  	[dreg:$0x4] =	wrdreg $0xC0  }
0xab: {  	_ =	task [dreg:s6], $0x5FFFF  }
0xac: {  	[dreg:$0x1] =	wrdreg $0xFFFFFFFF  }
0xad: {  	[dreg:$0x0] =	wrdreg $0x60  }
0xae: {  	[dreg:$0x2] =	wrdreg s24  }
0xaf: {  	[dreg:$0x3] =	wrdreg $0x43200  }
0xb0: {  	[dreg:$0x4] =	wrdreg $0x9  }
0xb1: {  	_ =	task.clear_ibuf [dreg:s6], $0x5FFFF;
	_ =	strace $0x90000046  }
0xb2: {  	s29 =	simm.s32 $0x9;
	_ =	strace $0x80000048  }
0xb3: {  	_ =	swait.ge [sflag:s29], $0x1  }
0xb4: {  	[sflag:s29] =	ssyncadd.s32 $0xFFFFFFFF  }
0xb5: {  	_ =	strace $0x90000048  }
0xb6: {  	_ =	sfence  }
0xb7: {  	s30 =	sld [smem:$0x0];
	_ =	sdelay $0x2  }
0xb8: {  	s31 =	sshll.u32 s1, $0xD;
	s1 =	sshrl.u32 s1, $0x2  }
0xb9: {  	s3 =	sand.u32 $0x4000, s31;
	s1 =	sadd.s32 s1, s30  }
0xba: {  	s0 =	sor.u32 s3, s0;
	s1 =	sshll.u32 s1, $0x11  }
0xbb: {  	s0 =	sor.u32 s1, s0  }
0xbc: {  	s0 =	sadd.s32 $0x8F2B, s0  }
0xbd: {  	[sflag:s0] =	ssyncadd.remote.s32 $0x1  }
0xbe: {  	_ =	sfence.sel $0xFFFF  }
0xbf: {  	[dreg:$0x0] =	wrdreg $0xFFFFFFFF;
	(pc) =	sbr.abs _section_cstart, $3  }
0xc0: {  	[dreg:$0x1] =	wrdreg $0xFFFFFFFF  }
0xc1: {  	_ =	task.clear_ibuf [dreg:s6], $0x2FFFF;
	_ =	strace $0x9FFFFFFF  }
0xc2: {  	(tm) =	ssettm $0x7FFFFFFF  }
0xc3: {  	_ =	shalt  }
tec
execute0_lowered:
.L_overlay_start_1:
0x0: {  	(tag) =	ssettag $0x1  }
0x1: {  	s0 =	srdreg.scid;
	s3 =	rddreg [dreg:$0x0]  }
0x2: {  	s7 =	stileid.u32;
	s1 =	rddreg [dreg:$0x1];
	s9 =	simm.s32 $0x80  }
0x3: {  	s10 =	simm.s32 $0x1400;
	s11 =	simm.s32 $0xC00;
	s12 =	simm.s32 $0xC80  }
0x4: {  	s13 =	simm.s32 $0xD00;
	s14 =	simm.s32 $0xD80;
	s15 =	simm.s32 $0xE00  }
0x5: {  	s16 =	simm.s32 $0xE80;
	s17 =	simm.s32 $0xF00;
	s18 =	simm.s32 $0xF80  }
0x6: {  	s19 =	simm.s32 $0x1000;
	s20 =	simm.s32 $0x1080;
	s21 =	simm.s32 $0x1100  }
0x7: {  	s22 =	simm.s32 $0x1180;
	s23 =	simm.s32 $0x1200;
	s24 =	simm.s32 $0x1280  }
0x8: {  	s25 =	simm.s32 $0x1300;
	s26 =	simm.s32 $0x1380;
	s28 =	simm.s32 $0x1  }
0x9: {  	s29 =	simm.s32 $0x0;
	s0 =	sand.u32 $0x1, s0;
	s5 =	smul.u32 $0x9C80, s7  }
0xa: {  	p0 =	sne.s32 s7, $0x0;
	s2 =	sshll.u32 s0, $0x4;
	s6 =	smul.u32 $0x4E20, s0  }
0xb: {  	s0 =	ssub.s32 $0x2, s0;
	s4 =	sor.u32 s7, s2;
	s2 =	simm.s32 $0x0  }
0xc: {  	s8 =	sshrl.u32 s0, $0x1;
	s5 =	sshrl.u32 s5, $0x2;
	s7 =	simm.s32 $0xB80  }
0xd: {  	s4 =	smul.u32 $0x280, s4;
	[smem:$0x7FF] =	sst s2;
	s6 =	sadd.s32 s6, s3  }
0xe: {  	s0 =	ssub.s32 s0, s8;
	s8 =	simm.s32 $0x2;
	_ =	strace $0x80000047  }
0xf: {  	s4 =	sadd.s32 s4, s3;
	s3 =	sadd.s32 s5, s1;
	s5 =	sadd.s32 $0x5C00, s6  }
0x10: {  	v0 =	vimm.f32 $1.000000000e+00;
	v1 =	vimm.f32 $0.0e+00;
	s6 =	smax.u32 s0, $0x1;
	s0 =	simm.s32 $0xB00;
	s4 =	sadd.s32 $0xC00, s4  }
.LBB2_1:
0x11: {  	s30 =	simm.s32 $0x0  }
.LBB2_2:
0x12: {  	p1 =	sne.s32 s30, $0x1FC0  }
.Ltmp0:
0x13: {  	_ = 	snop;
	(pc) =	sbr.rel @p1 .LBB2_2-.Ltmp0, $3  }
0x14: {  	_ =	sdelay $0x1  }
0x15: {  	s31 =	sshra.s32 s30, $0x2  }
0x16: {  	s30 =	sadd.s32 $0x40, s30;
	[tilespmem:s31+$0x1400] =	vst v0  }
0x17: {  	s30 =	simm.s32 $0x40;
	s31 =	simm.s32 $0x0  }
.LBB2_4:
0x18: {  	p1 =	sne.s32 s30, $0x9C40;
	[tilespmem:s31+$0x1C00] =	vst v1;
	s31 =	smov.u32 s30;
	s30 =	sadd.s32 $0x40, s30  }
.Ltmp1:
0x19: {  	(pc) =	sbr.rel @p1 .LBB2_4-.Ltmp1, $2  }
0x1a: {  	_ =	sdelay $0x2  }
0x1b: {  	s31 =	sshra.s32 s31, $0x2  }
0x1c: {  	[tilespmem:s31+$0x1C00] =	vst v1;
	s30 =	simm.s32 $0x1C00  }
0x1d: {  	[spmem:s3] =	stream.linear.scatter [tilespmem:s30], [sflag:$0x2], $0x2720, $0x38;
	[tilespmem:$0x6A40] =	vst v63  }
0x1e: {  	_ =	swait.ge [sflag:s8], $0x2720  }
0x1f: {  	[sflag:s8] =	ssyncset.done $0x0  }
0x20: {  	[sflag:s8] =	ssyncadd.s32 $0xFFFFD8E0  }
0x21: {  	[bflag:$0x0] =	sbarrier.arrive $0xFFFF  }
0x22: {  	[tilespmem:s2], [sflag:$0x2] =	stream.linear.gather [hbm4b:s4+s2], $0x1400, $0x38;
	[tilespmem:$0x6A40] =	vst v63  }
0x23: {  	_ =	swait.ge [sflag:s8], $0x1400  }
0x24: {  	[sflag:s8] =	ssyncset.done $0x0  }
0x25: {  	[sflag:s8] =	ssyncadd.s32 $0xFFFFEC00  }
0x26: {  	[spmem:s1] =	stream.indirect.scatter.add.f32 [tilespmem:s10], [sflag:$0x1], $0x10, s2, s9, $0xb8;
	[tilespmem:$0x6A40] =	vst v63  }
0x27: {  	_ = 	snop  }
0x28: {  	[spmem:s1] =	stream.indirect.scatter.add.f32 [tilespmem:s10], [sflag:$0x1], $0x10, s9, s9, $0xb8;
	[tilespmem:$0x6A40] =	vst v63  }
0x29: {  	s30 =	simm.s32 $0x100  }
0x2a: {  	[spmem:s1] =	stream.indirect.scatter.add.f32 [tilespmem:s10], [sflag:$0x1], $0x10, s30, s9, $0xb8;
	[tilespmem:$0x6A40] =	vst v63  }
0x2b: {  	s30 =	simm.s32 $0x180  }
0x2c: {  	[spmem:s1] =	stream.indirect.scatter.add.f32 [tilespmem:s10], [sflag:$0x1], $0x10, s30, s9, $0xb8;
	[tilespmem:$0x6A40] =	vst v63  }
0x2d: {  	s30 =	simm.s32 $0x200  }
0x2e: {  	[spmem:s1] =	stream.indirect.scatter.add.f32 [tilespmem:s10], [sflag:$0x1], $0x10, s30, s9, $0xb8;
	[tilespmem:$0x6A40] =	vst v63  }
0x2f: {  	s30 =	simm.s32 $0x280  }
0x30: {  	[spmem:s1] =	stream.indirect.scatter.add.f32 [tilespmem:s10], [sflag:$0x1], $0x10, s30, s9, $0xb8;
	[tilespmem:$0x6A40] =	vst v63  }
0x31: {  	s30 =	simm.s32 $0x300  }
0x32: {  	[spmem:s1] =	stream.indirect.scatter.add.f32 [tilespmem:s10], [sflag:$0x1], $0x10, s30, s9, $0xb8;
	[tilespmem:$0x6A40] =	vst v63  }
0x33: {  	s30 =	simm.s32 $0x380  }
0x34: {  	[spmem:s1] =	stream.indirect.scatter.add.f32 [tilespmem:s10], [sflag:$0x1], $0x10, s30, s9, $0xb8;
	[tilespmem:$0x6A40] =	vst v63  }
0x35: {  	s30 =	simm.s32 $0x400  }
0x36: {  	[spmem:s1] =	stream.indirect.scatter.add.f32 [tilespmem:s10], [sflag:$0x1], $0x10, s30, s9, $0xb8;
	[tilespmem:$0x6A40] =	vst v63  }
0x37: {  	s30 =	simm.s32 $0x480  }
0x38: {  	[spmem:s1] =	stream.indirect.scatter.add.f32 [tilespmem:s10], [sflag:$0x1], $0x10, s30, s9, $0xb8;
	[tilespmem:$0x6A40] =	vst v63  }
0x39: {  	s30 =	simm.s32 $0x500  }
0x3a: {  	[spmem:s1] =	stream.indirect.scatter.add.f32 [tilespmem:s10], [sflag:$0x1], $0x10, s30, s9, $0xb8;
	[tilespmem:$0x6A40] =	vst v63  }
0x3b: {  	s30 =	simm.s32 $0x580  }
0x3c: {  	[spmem:s1] =	stream.indirect.scatter.add.f32 [tilespmem:s10], [sflag:$0x1], $0x10, s30, s9, $0xb8;
	[tilespmem:$0x6A40] =	vst v63  }
0x3d: {  	s30 =	simm.s32 $0x600  }
0x3e: {  	[spmem:s1] =	stream.indirect.scatter.add.f32 [tilespmem:s10], [sflag:$0x1], $0x10, s30, s9, $0xb8;
	[tilespmem:$0x6A40] =	vst v63  }
0x3f: {  	s30 =	simm.s32 $0x680  }
0x40: {  	[spmem:s1] =	stream.indirect.scatter.add.f32 [tilespmem:s10], [sflag:$0x1], $0x10, s30, s9, $0xb8;
	[tilespmem:$0x6A40] =	vst v63  }
0x41: {  	s30 =	simm.s32 $0x700  }
0x42: {  	[spmem:s1] =	stream.indirect.scatter.add.f32 [tilespmem:s10], [sflag:$0x1], $0x10, s30, s9, $0xb8;
	[tilespmem:$0x6A40] =	vst v63  }
0x43: {  	s30 =	simm.s32 $0x780  }
0x44: {  	[spmem:s1] =	stream.indirect.scatter.add.f32 [tilespmem:s10], [sflag:$0x1], $0x10, s30, s9, $0xb8;
	[tilespmem:$0x6A40] =	vst v63  }
0x45: {  	s30 =	simm.s32 $0x800  }
0x46: {  	[spmem:s1] =	stream.indirect.scatter.add.f32 [tilespmem:s10], [sflag:$0x1], $0x10, s30, s9, $0xb8;
	[tilespmem:$0x6A40] =	vst v63  }
0x47: {  	s30 =	simm.s32 $0x880  }
0x48: {  	[spmem:s1] =	stream.indirect.scatter.add.f32 [tilespmem:s10], [sflag:$0x1], $0x10, s30, s9, $0xb8;
	[tilespmem:$0x6A40] =	vst v63  }
0x49: {  	s30 =	simm.s32 $0x900  }
0x4a: {  	[spmem:s1] =	stream.indirect.scatter.add.f32 [tilespmem:s10], [sflag:$0x1], $0x10, s30, s9, $0xb8;
	[tilespmem:$0x6A40] =	vst v63  }
0x4b: {  	s30 =	simm.s32 $0x980  }
0x4c: {  	[spmem:s1] =	stream.indirect.scatter.add.f32 [tilespmem:s10], [sflag:$0x1], $0x10, s30, s9, $0xb8;
	[tilespmem:$0x6A40] =	vst v63  }
0x4d: {  	s30 =	simm.s32 $0xA00  }
0x4e: {  	[spmem:s1] =	stream.indirect.scatter.add.f32 [tilespmem:s10], [sflag:$0x1], $0x10, s30, s9, $0xb8;
	[tilespmem:$0x6A40] =	vst v63  }
0x4f: {  	s30 =	simm.s32 $0xA80  }
0x50: {  	[spmem:s1] =	stream.indirect.scatter.add.f32 [tilespmem:s10], [sflag:$0x1], $0x10, s30, s9, $0xb8;
	[tilespmem:$0x6A40] =	vst v63  }
0x51: {  	_ = 	snop  }
0x52: {  	[spmem:s1] =	stream.indirect.scatter.add.f32 [tilespmem:s10], [sflag:$0x1], $0x10, s0, s9, $0xb8;
	[tilespmem:$0x6A40] =	vst v63  }
0x53: {  	_ = 	snop  }
0x54: {  	[spmem:s1] =	stream.indirect.scatter.add.f32 [tilespmem:s10], [sflag:$0x1], $0x10, s7, s9, $0xb8;
	[tilespmem:$0x6A40] =	vst v63  }
0x55: {  	_ = 	snop  }
0x56: {  	[spmem:s1] =	stream.indirect.scatter.add.f32 [tilespmem:s10], [sflag:$0x1], $0x10, s11, s9, $0xb8;
	[tilespmem:$0x6A40] =	vst v63  }
0x57: {  	_ = 	snop  }
0x58: {  	[spmem:s1] =	stream.indirect.scatter.add.f32 [tilespmem:s10], [sflag:$0x1], $0x10, s12, s9, $0xb8;
	[tilespmem:$0x6A40] =	vst v63  }
0x59: {  	_ = 	snop  }
0x5a: {  	[spmem:s1] =	stream.indirect.scatter.add.f32 [tilespmem:s10], [sflag:$0x1], $0x10, s13, s9, $0xb8;
	[tilespmem:$0x6A40] =	vst v63  }
0x5b: {  	_ = 	snop  }
0x5c: {  	[spmem:s1] =	stream.indirect.scatter.add.f32 [tilespmem:s10], [sflag:$0x1], $0x10, s14, s9, $0xb8;
	[tilespmem:$0x6A40] =	vst v63  }
0x5d: {  	_ = 	snop  }
0x5e: {  	[spmem:s1] =	stream.indirect.scatter.add.f32 [tilespmem:s10], [sflag:$0x1], $0x10, s15, s9, $0xb8;
	[tilespmem:$0x6A40] =	vst v63  }
0x5f: {  	_ = 	snop  }
0x60: {  	[spmem:s1] =	stream.indirect.scatter.add.f32 [tilespmem:s10], [sflag:$0x1], $0x10, s16, s9, $0xb8;
	[tilespmem:$0x6A40] =	vst v63  }
0x61: {  	_ = 	snop  }
0x62: {  	[spmem:s1] =	stream.indirect.scatter.add.f32 [tilespmem:s10], [sflag:$0x1], $0x10, s17, s9, $0xb8;
	[tilespmem:$0x6A40] =	vst v63  }
0x63: {  	_ = 	snop  }
0x64: {  	[spmem:s1] =	stream.indirect.scatter.add.f32 [tilespmem:s10], [sflag:$0x1], $0x10, s18, s9, $0xb8;
	[tilespmem:$0x6A40] =	vst v63  }
0x65: {  	_ = 	snop  }
0x66: {  	[spmem:s1] =	stream.indirect.scatter.add.f32 [tilespmem:s10], [sflag:$0x1], $0x10, s19, s9, $0xb8;
	[tilespmem:$0x6A40] =	vst v63  }
0x67: {  	_ = 	snop  }
0x68: {  	[spmem:s1] =	stream.indirect.scatter.add.f32 [tilespmem:s10], [sflag:$0x1], $0x10, s20, s9, $0xb8;
	[tilespmem:$0x6A40] =	vst v63  }
0x69: {  	_ = 	snop  }
0x6a: {  	[spmem:s1] =	stream.indirect.scatter.add.f32 [tilespmem:s10], [sflag:$0x1], $0x10, s21, s9, $0xb8;
	[tilespmem:$0x6A40] =	vst v63  }
0x6b: {  	_ = 	snop  }
0x6c: {  	[spmem:s1] =	stream.indirect.scatter.add.f32 [tilespmem:s10], [sflag:$0x1], $0x10, s22, s9, $0xb8;
	[tilespmem:$0x6A40] =	vst v63  }
0x6d: {  	_ = 	snop  }
0x6e: {  	[spmem:s1] =	stream.indirect.scatter.add.f32 [tilespmem:s10], [sflag:$0x1], $0x10, s23, s9, $0xb8;
	[tilespmem:$0x6A40] =	vst v63  }
0x6f: {  	_ = 	snop  }
0x70: {  	[spmem:s1] =	stream.indirect.scatter.add.f32 [tilespmem:s10], [sflag:$0x1], $0x10, s24, s9, $0xb8;
	[tilespmem:$0x6A40] =	vst v63  }
0x71: {  	_ = 	snop  }
0x72: {  	[spmem:s1] =	stream.indirect.scatter.add.f32 [tilespmem:s10], [sflag:$0x1], $0x10, s25, s9, $0xb8;
	[tilespmem:$0x6A40] =	vst v63  }
0x73: {  	_ = 	snop  }
0x74: {  	[spmem:s1] =	stream.indirect.scatter.add.f32 [tilespmem:s10], [sflag:$0x1], $0x10, s26, s9, $0xb8;
	[tilespmem:$0x6A40] =	vst v63  }
0x75: {  	_ =	swait.ge [sflag:s28], $0x800  }
0x76: {  	s30 =	simm.s32 $0x27;
	[sflag:s28] =	ssyncset.done $0x0  }
.LBB2_6:
0x77: {  	p1 =	sne.s32 s30, $0x1;
	s30 =	sadd.s32 $0xFFFFFFFF, s30;
	[sflag:s28] =	ssyncadd.s32 $0xFFFFF800  }
.Ltmp2:
0x78: {  	(pc) =	sbr.rel @p1 .LBB2_6-.Ltmp2, $3  }
0x79: {  	_ =	sdelay $0x1  }
0x7a: {  	_ =	swait.ge [sflag:s28], $0x800  }
0x7b: {  	[sflag:s28] =	ssyncset.done $0x0  }
0x7c: {  	[sflag:s28] =	ssyncadd.s32 $0xFFFFF800;
	s30 =	sshrl.u32 @!p0 s1, $0x3;
	s29 =	sadd.s32 $0x1, s29  }
0x7d: {  	s31 =	simm.s32 @!p0 $0x1C02;
	[bflag:$0x0] =	sbarrier.arrive $0xFFFF;
	p1 =	sne.s32 s29, s6  }
0x7e: {  	[hbm:s5], [sflag:s31] =	dma.local @!p0 [spmem:s30], $0x4E20  }
.Ltmp3:
0x7f: {  	_ = 	snop;
	(pc) =	sbr.rel @p1 .LBB2_1-.Ltmp3, $4  }
0x80: {  	s30 =	simm.s32 @!p0 $0x2  }
0x81: {  	_ =	swait.ge @!p0 [sflag:s30], $0x4E20  }
0x82: {  	[sflag:s30] =	ssyncset.done @!p0 $0x0  }
0x83: {  	[sflag:s30] =	ssyncadd.s32 @!p0 $0xFFFFB1E0  }
0x84: {  	_ =	sfence.sel $0x180000  }
0x85: {  	[bflag:$0x0] =	sbarrier.arrive $0xFFFF  }
0x86: {  	_ =	strace $0x90000047  }
0x87: {  	[bflag:$0x2] =	sbarrier.arrive $0xFFFF  }
0x88: {  	s0 =	rddreg [dreg:$0x2]  }
0x89: {  	s0 =	sadd.s32 @!p0 $0x100000, s0  }
0x8a: {  	[sflag:s0] =	ssyncadd.tile.s32 @!p0 $0x1;
	_ =	shalt  }
.Lfunc_end2:
_tile_overlayer_lowered:
.L_overlay_start_2:
0x8b: {  	(tag) =	ssettag $0x2  }
0x8c: {  	s0 =	rddreg [dreg:$0x0];
	s2 =	stileid.u32  }
0x8d: {  	s1 =	rddreg [dreg:$0x1];
	p0 =	sne.s32 s2, $0x0  }
0x8e: {  	s3 =	rddreg [dreg:$0x2];
	[bflag:$0x3] =	sbarrier.arrive $0xFFFF;
	s2 =	simm.s32 @!p0 $0x1C02  }
0x8f: {  	[timem:s3], [sflag:s2] =	dma.local @!p0 [hbm:s0], s1  }
0x90: {  	s0 =	simm.s32 @!p0 $0x2  }
0x91: {  	_ =	swait.ge @!p0 [sflag:s0], s1  }
0x92: {  	s1 =	ssub.s32 @!p0 $0x0, s1;
	[sflag:s0] =	ssyncset.done @!p0 $0x0  }
0x93: {  	[sflag:s0] =	ssyncadd.s32 @!p0 s1  }
0x94: {  	[bflag:$0x3] =	sbarrier.arrive $0xFFFF  }
0x95: {  	_ =	shalt  }

// kernel: kernel.9.cloned.1.call-start
scs
__scs_entry_jumppad:
0x0: {  	(pc) =	sbr.rel $0x88, $3  }
0x1: {  	(tag) =	ssettag $0x0;
	lr =	simm.s32 $0x1  }
0x2: {  	[smem:$0x3F9D] =	sst lr;
	_ =	strace $0xD0000000  }
0x3: {  	_ = 	snop  }
0x4: {  	_ = 	snop  }
0x5: {  	_ = 	snop  }
0x6: {  	_ = 	snop  }
0x7: {  	_ = 	snop  }
__scs_overlays_trampoline_lowered:
0x8: {  	[smem:$0x3FAC] =	sst s0  }
0x9: {  	[smem:$0x3FAD] =	sst s1  }
0xa: {  	[smem:$0x3FAE] =	sst s2  }
0xb: {  	[smem:$0x3FAF] =	sst s3  }
0xc: {  	[smem:$0x3FB0] =	sst s4  }
0xd: {  	[smem:$0x3FB1] =	sst s5  }
0xe: {  	[smem:$0x3FB2] =	sst s6  }
0xf: {  	[smem:$0x3FB3] =	sst s7  }
0x10: {  	[smem:$0x3FB4] =	sst s8  }
0x11: {  	[smem:$0x3FB5] =	sst s9;
	s0 =	simm.s32 @!p0 $0x0  }
0x12: {  	s1 =	sld [smem:$0x3F9B];
	s0 =	simm.s32 @p0 $0x1  }
0x13: {  	[smem:$0x3FB6] =	sst s0;
	s0 =	simm.s32 @!p1 $0x0  }
0x14: {  	s2 =	sld [smem:$0x3F9A];
	s0 =	simm.s32 @p1 $0x1  }
0x15: {  	[smem:$0x3FB7] =	sst s0;
	s0 =	simm.s32 @!p2 $0x0  }
0x16: {  	s3 =	sld [smem:$0x3FDB];
	s0 =	simm.s32 @p2 $0x1  }
0x17: {  	s4 =	simm.s32 $0x1BF5;
	[smem:$0x3FB9] =	sst s0  }
0x18: {  	s0 =	sld [smem:$0x3F9C];
	_ =	swait.ge [sflag:s4], $0x0  }
0x19: {  	s7 =	sld [smem:$0x3F9D]  }
0x1a: {  	s8 =	sadd.s32 $0xFFFFE003, lr  }
0x1b: {  	s9 =	sadd.s32 $0xFFFFFEF7, lr;
	s5 =	simm.s32 $0xFFFFFFFF;
	p2 =	slt.u32 s8, $0xFFFFF086  }
0x1c: {  	p1 =	slt.u32 s9, $0xF7A;
	s5 =	simm.s32 @!p2 $0x0  }
0x1d: {  	s5 =	simm.s32 @p1 $0x1;
	p0 =	seq.s32 s7, s2  }
0x1e: {  	s7 =	smul.u32 @!p0 $0xF7A, s2;
	p2 =	seq.s32 @!p0 s5, $0x0  }
0x1f: {  	s9 =	smul.u32 $0xF7A, s1;
	s8 =	simm.s32 @!p0 $0x1BF5;
	p2 =	por !p2, p0  }
0x20: {  	[sflag:s8] =	ssyncset.s32 @!p0 $0xFFFFF086;
	s6 =	sadd.s32 @!p0 s3, s7;
	s7 =	simm.s32 @!p0 $0x108  }
0x21: {  	s3 =	sadd.s32 s3, s9;
	s6 =	sadd.s32 @!p0 $0x88, s6;
	s7 =	simm.s32 @p2 $0x1082  }
0x22: {  	[simem:s7], [sflag:s8] =	dma.local @!p0 [hbm:s6], $0xF7A  }
0x23: {  	s9 =	sor.u32 $0xD0000000, s2;
	s6 =	simm.s32 $0x108;
	_ =	swait.ge @!p0 [sflag:s8], $0x0  }
0x24: {  	s3 =	sadd.s32 $0x88, s3;
	s6 =	simm.s32 @!p1 $0x1082;
	[sflag:s4] =	ssyncset.s32 $0xFFFFF086  }
0x25: {  	[simem:s6], [sflag:s4] =	dma.local [hbm:s3], $0xF7A  }
0x26: {  	[smem:$0x3F9D] =	sst s1;
	(tag) =	ssettag s2;
	_ =	strace s9  }
0x27: {  	s1 =	sld [smem:$0x3FAD]  }
0x28: {  	s2 =	sld [smem:$0x3FAE]  }
0x29: {  	s4 =	sld [smem:$0x3FB0]  }
0x2a: {  	p0 =	seq.s32 s5, $0x0;
	s5 =	sld [smem:$0x3FB1]  }
0x2b: {  	s6 =	sld [smem:$0x3FB2]  }
0x2c: {  	s7 =	sld [smem:$0x3FB3]  }
0x2d: {  	s3 =	simm.s32 $0x108;
	s8 =	sld [smem:$0x3FB4]  }
0x2e: {  	s3 =	simm.s32 @!p0 $0x1082;
	s9 =	sld [smem:$0x3FB5]  }
0x2f: {  	lr =	sadd.s32 s0, s3;
	s0 =	sld [smem:$0x3FAC]  }
0x30: {  	s3 =	sld [smem:$0x3FAF]  }
0x31: {  	[smem:$0x3FB8] =	sst s10  }
0x32: {  	s10 =	sld [smem:$0x3FB6];
	_ =	sdelay $0x3  }
0x33: {  	p0 =	seq.s32 s10, $0x1;
	s10 =	sld [smem:$0x3FB8];
	_ =	sdelay $0x3  }
0x34: {  	[smem:$0x3FB8] =	sst s10  }
0x35: {  	s10 =	sld [smem:$0x3FB7];
	_ =	sdelay $0x3  }
0x36: {  	p1 =	seq.s32 s10, $0x1;
	s10 =	sld [smem:$0x3FB8];
	_ =	sdelay $0x3  }
0x37: {  	[smem:$0x3FB8] =	sst s10  }
0x38: {  	s10 =	sld [smem:$0x3FB9]  }
0x39: {  	_ = 	snop;
	(pc) =	sbr.ind lr, $3  }
0x3a: {  	_ = 	snop  }
0x3b: {  	_ = 	snop  }
0x3c: {  	p2 =	seq.s32 s10, $0x1;
	s10 =	sld [smem:$0x3FB8]  }
0x3d: {  	_ =	shalt  }
0x3e: {  	_ =	shalt  }
0x3f: {  	_ =	shalt  }
0x40: {  	_ =	shalt  }
0x41: {  	_ =	shalt  }
0x42: {  	_ =	shalt  }
0x43: {  	_ =	shalt  }
0x44: {  	_ =	shalt  }
0x45: {  	_ =	shalt  }
0x46: {  	_ =	shalt  }
0x47: {  	_ =	shalt  }
0x48: {  	_ =	shalt  }
0x49: {  	_ =	shalt  }
0x4a: {  	_ =	shalt  }
0x4b: {  	_ =	shalt  }
0x4c: {  	_ =	shalt  }
0x4d: {  	_ =	shalt  }
0x4e: {  	_ =	shalt  }
0x4f: {  	_ =	shalt  }
0x50: {  	_ =	shalt  }
0x51: {  	_ =	shalt  }
0x52: {  	_ =	shalt  }
0x53: {  	_ =	shalt  }
0x54: {  	_ =	shalt  }
0x55: {  	_ =	shalt  }
0x56: {  	_ =	shalt  }
0x57: {  	_ =	shalt  }
0x58: {  	_ =	shalt  }
0x59: {  	_ =	shalt  }
0x5a: {  	_ =	shalt  }
0x5b: {  	_ =	shalt  }
0x5c: {  	_ =	shalt  }
0x5d: {  	_ =	shalt  }
0x5e: {  	_ =	shalt  }
0x5f: {  	_ =	shalt  }
0x60: {  	_ =	shalt  }
0x61: {  	_ =	shalt  }
0x62: {  	_ =	shalt  }
0x63: {  	_ =	shalt  }
0x64: {  	_ =	shalt  }
0x65: {  	_ =	shalt  }
0x66: {  	_ =	shalt  }
0x67: {  	_ =	shalt  }
0x68: {  	_ =	shalt  }
0x69: {  	_ =	shalt  }
0x6a: {  	_ =	shalt  }
0x6b: {  	_ =	shalt  }
0x6c: {  	_ =	shalt  }
0x6d: {  	_ =	shalt  }
0x6e: {  	_ =	shalt  }
0x6f: {  	_ =	shalt  }
0x70: {  	_ =	shalt  }
0x71: {  	_ =	shalt  }
0x72: {  	_ =	shalt  }
0x73: {  	_ =	shalt  }
0x74: {  	_ =	shalt  }
0x75: {  	_ =	shalt  }
0x76: {  	_ =	shalt  }
0x77: {  	_ =	shalt  }
0x78: {  	_ =	shalt  }
0x79: {  	_ =	shalt  }
0x7a: {  	_ =	shalt  }
0x7b: {  	_ =	shalt  }
0x7c: {  	_ =	shalt  }
0x7d: {  	_ =	shalt  }
0x7e: {  	_ =	shalt  }
0x7f: {  	_ =	shalt  }
0x80: {  	_ =	shalt  }
0x81: {  	_ =	shalt  }
0x82: {  	_ =	shalt  }
0x83: {  	_ =	shalt  }
0x84: {  	_ =	shalt  }
0x85: {  	_ =	shalt  }
0x86: {  	_ =	shalt  }
0x87: {  	_ =	shalt  }
.Lfunc_end0:
.L_simem_size_0:
called_computation.1_lowered:
.L_overlay_start_0:
0x88: {  	s2 =	sld [smem:$0x3FD9]  }
0x89: {  	s3 =	sld [smem:$0x3FFE];
	_ =	sdelay $0x1  }
0x8a: {  	s1 =	srdreg.scid  }
0x8b: {  	s0 =	sand.u32 $0x1, s1  }
0x8c: {  	s16 =	sshll.u32 s0, $0xA;
	s2 =	sadd.s32 s3, s2  }
0x8d: {  	s2 =	sadd.s32 s2, s16  }
0x8e: {  	[smem:$0x3FC4] =	sst s2  }
0x8f: {  	_ = 	snop  }
0x90: {  	(tm) =	ssettm $0x1  }
0x91: {  	s17 =	sld [smem:$0x3FFB];
	_ =	sdelay $0x3  }
0x92: {  	_ =	strace s17  }
0x93: {  	s2 =	sld [smem:$0x3FFC];
	_ =	sdelay $0x3  }
0x94: {  	_ =	strace s2  }
0x95: {  	s2 =	sld [smem:$0x3FFD];
	_ =	sdelay $0x3  }
0x96: {  	_ =	strace s2  }
0x97: {  	_ =	strace $0x8FFFFFFF  }
0x98: {  	s18 =	sld [smem:$0x3FDB];
	_ =	sdelay $0x1  }
0x99: {  	s19 =	simm.s32 $_scs_section_size  }
0x9a: {  	s4 =	simm.s32 $_size__tile_overlayer_lowered;
	s5 =	simm.s32 $_tile_overlayer_lowered  }
0x9b: {  	s22 =	simm.s32 $0x1BFF;
	s21 =	sshll.u32 s5, $0x1;
	s2 =	sadd.s32 s19, s18  }
0x9c: {  	s6 =	simm.s32 $0x0;
	s20 =	sshll.u32 s4, $0x1;
	s4 =	sadd.s32 s21, s2  }
0x9d: {  	[timem:s6], [sflag:s22] =	dma.local [hbm:s4], s20  }
0x9e: {  	_ =	swait.ge [sflag:s22], s20  }
0x9f: {  	s3 =	ssub.s32 $0x0, s20;
	[sflag:s22] =	ssyncset.done $0x0  }
0xa0: {  	[sflag:s22] =	ssyncadd.s32 s3;
	_ =	sdelay $0x1  }
0xa1: {  	s23 =	simm.s32 $0x1B8B  }
0xa2: {  	_ =	swait.ge [sflag:s23], $0x1  }
0xa3: {  	[sflag:s23] =	ssyncset.done $0x0  }
0xa4: {  	s25 =	simm.s32 $0x1B8E;
	s24 =	sld [smem:$0x3FFE];
	[sflag:s23] =	ssyncadd.s32 $0xFFFFFFFF  }
0xa5: {  	s26 =	simm.s32 $execute0_lowered;
	[smem:$0x3FD2] =	sst s25  }
0xa6: {  	s4 =	sshll.u32 s26, $0x1;
	_ =	strace $0x80000049;
	[dreg:$0x1] =	wrdreg $0xFFFFFFFF  }
0xa7: {  	s28 =	simm.s32 $_size_execute0_lowered;
	s2 =	sadd.s32 s2, s4;
	[dreg:$0x0] =	wrdreg $0x0  }
0xa8: {  	s4 =	sshll.u32 s28, $0x1;
	[dreg:$0x2] =	wrdreg s2  }
0xa9: {  	[dreg:$0x3] =	wrdreg s4  }
0xaa: {  	[dreg:$0x4] =	wrdreg $0xC0  }
0xab: {  	_ =	task [dreg:s6], $0x5FFFF  }
0xac: {  	[dreg:$0x1] =	wrdreg $0xFFFFFFFF  }
0xad: {  	[dreg:$0x0] =	wrdreg $0x60  }
0xae: {  	[dreg:$0x2] =	wrdreg s24  }
0xaf: {  	[dreg:$0x3] =	wrdreg $0xE6200  }
0xb0: {  	[dreg:$0x4] =	wrdreg $0x9  }
0xb1: {  	_ =	task.clear_ibuf [dreg:s6], $0x5FFFF;
	_ =	strace $0x90000049  }
0xb2: {  	s29 =	simm.s32 $0x9;
	_ =	strace $0x8000004B  }
0xb3: {  	_ =	swait.ge [sflag:s29], $0x1  }
0xb4: {  	[sflag:s29] =	ssyncadd.s32 $0xFFFFFFFF  }
0xb5: {  	_ =	strace $0x9000004B  }
0xb6: {  	_ =	sfence  }
0xb7: {  	s30 =	sld [smem:$0x0];
	_ =	sdelay $0x2  }
0xb8: {  	s31 =	sshll.u32 s1, $0xD;
	s1 =	sshrl.u32 s1, $0x2  }
0xb9: {  	s3 =	sand.u32 $0x4000, s31;
	s1 =	sadd.s32 s1, s30  }
0xba: {  	s0 =	sor.u32 s3, s0;
	s1 =	sshll.u32 s1, $0x11  }
0xbb: {  	s0 =	sor.u32 s1, s0  }
0xbc: {  	s0 =	sadd.s32 $0x8F2B, s0  }
0xbd: {  	[sflag:s0] =	ssyncadd.remote.s32 $0x1  }
0xbe: {  	_ =	sfence.sel $0xFFFF  }
0xbf: {  	[dreg:$0x0] =	wrdreg $0xFFFFFFFF;
	(pc) =	sbr.abs _section_cstart, $3  }
0xc0: {  	[dreg:$0x1] =	wrdreg $0xFFFFFFFF  }
0xc1: {  	_ =	task.clear_ibuf [dreg:s6], $0x2FFFF;
	_ =	strace $0x9FFFFFFF  }
0xc2: {  	(tm) =	ssettm $0x7FFFFFFF  }
0xc3: {  	_ =	shalt  }
tec
execute0_lowered:
.L_overlay_start_1:
0x0: {  	(tag) =	ssettag $0x1  }
0x1: {  	s0 =	rddreg [dreg:$0x0]  }
0x2: {  	s1 =	rddreg [dreg:$0x1];
	s2 =	simm.s32 $0x0;
	s4 =	srdreg.scid  }
0x3: {  	s11 =	stileid.u32;
	s13 =	simm.s32 $0x80;
	s14 =	simm.s32 $0x3F00  }
0x4: {  	s15 =	simm.s32 $0x4700;
	s16 =	simm.s32 $0x100;
	s17 =	simm.s32 $0x4F00  }
0x5: {  	s18 =	simm.s32 $0x180;
	s19 =	simm.s32 $0x5700;
	s20 =	simm.s32 $0x200  }
0x6: {  	s21 =	simm.s32 $0x5F00;
	s22 =	simm.s32 $0x280;
	s28 =	simm.s32 $0x7700  }
0x7: {  	s29 =	simm.s32 $0x1;
	s30 =	simm.s32 $0x2;
	[smem:$0x7FF] =	sst s2  }
0x8: {  	s3 =	sadd.s32 $0x14A00, s0;
	s5 =	sand.u32 $0x1, s4;
	s9 =	smul.u32 $0x9C80, s11  }
0x9: {  	s7 =	sadd.s32 $0xFA00, s0;
	s8 =	sadd.s32 $0xC00, s0;
	s10 =	smul.u32 $0x880, s11  }
0xa: {  	s25 =	smul.u32 $0x3F0, s11;
	p1 =	sne.s32 s11, $0x0;
	_ =	strace $0x8000004A  }
0xb: {  	s4 =	smul.u32 $0x4E20, s5;
	s6 =	ssub.s32 $0x2, s5;
	p0 =	seq.s32 s5, $0x1  }
0xc: {  	s23 =	sshrl.u32 s6, $0x1;
	s24 =	sshrl.u32 s9, $0x2;
	s26 =	sshrl.u32 s10, $0x3  }
0xd: {  	s31 =	sadd.s32 s7, s25;
	s0 =	sadd.s32 s4, s0;
	s12 =	ssub.s32 s6, s23  }
.Ltmp0:
0xe: {  	s4 =	sadd.s32 s24, s1;
	[dreg:$0x3] =	wrdreg s31;
	(pc) =	sbr.rel .LBB2_1-.Ltmp0, $4  }
0xf: {  	s6 =	sadd.s32 s8, s25;
	s5 =	sadd.s32 $0x3F00, s26;
	s23 =	simm.s32 $0x6700  }
0x10: {  	s24 =	simm.s32 $0x300;
	s25 =	simm.s32 $0x6F00;
	s26 =	simm.s32 $0x380  }
0x11: {  	[dreg:$0x4] =	wrdreg s6;
	s7 =	sadd.s32 s7, s5;
	s8 =	sadd.s32 s8, s5  }
0x12: {  	v0 =	vimm.f32 $0.0e+00;
	s9 =	sadd.s32 $0x19A00, s0;
	s10 =	smax.u32 s12, $0x1;
	s12 =	simm.s32 $0x3  }
.LBB2_8:
0x13: {  	_ =	swait.ge [sflag:s30], $0x800  }
0x14: {  	[sflag:s30] =	ssyncset.done $0x0  }
0x15: {  	[sflag:s30] =	ssyncadd.s32 $0xFFFFF800  }
0x16: {  	_ =	swait.ge [sflag:s30], $0x800  }
0x17: {  	[sflag:s30] =	ssyncset.done $0x0  }
0x18: {  	[sflag:s30] =	ssyncadd.s32 $0xFFFFF800  }
0x19: {  	_ =	swait.ge [sflag:s30], $0x800  }
0x1a: {  	[sflag:s30] =	ssyncset.done $0x0  }
0x1b: {  	[sflag:s30] =	ssyncadd.s32 $0xFFFFF800  }
0x1c: {  	_ =	swait.ge [sflag:s30], $0x800  }
0x1d: {  	[sflag:s30] =	ssyncset.done $0x0  }
0x1e: {  	[sflag:s30] =	ssyncadd.s32 $0xFFFFF800  }
0x1f: {  	_ =	swait.ge [sflag:s30], $0x800  }
0x20: {  	[sflag:s30] =	ssyncset.done $0x0  }
0x21: {  	[sflag:s30] =	ssyncadd.s32 $0xFFFFF800  }
0x22: {  	_ =	swait.ge [sflag:s30], $0x800  }
0x23: {  	[sflag:s30] =	ssyncset.done $0x0  }
0x24: {  	[sflag:s30] =	ssyncadd.s32 $0xFFFFF800  }
0x25: {  	_ =	swait.ge [sflag:s30], $0x800  }
0x26: {  	[sflag:s30] =	ssyncset.done $0x0  }
0x27: {  	[sflag:s30] =	ssyncadd.s32 $0xFFFFF800  }
0x28: {  	_ =	swait.ge [sflag:s30], $0x800  }
0x29: {  	[sflag:s30] =	ssyncset.done $0x0  }
0x2a: {  	s0 =	sshrl.u32 @!p1 s1, $0x3;
	s2 =	sadd.s32 $0x1, s2;
	[sflag:s30] =	ssyncadd.s32 $0xFFFFF800  }
0x2b: {  	s5 =	simm.s32 @!p1 $0x1C03;
	p2 =	sne.s32 s2, s10;
	[bflag:$0x0] =	sbarrier.arrive $0xFFFF  }
0x2c: {  	[hbm:s9], [sflag:s5] =	dma.local @!p1 [spmem:s0], $0x4E20  }
.Ltmp1:
0x2d: {  	_ = 	snop;
	(pc) =	sbr.rel @!p2 .LBB2_9-.Ltmp1, $4  }
0x2e: {  	s0 =	simm.s32 @!p1 $0x3  }
0x2f: {  	_ =	swait.ge @!p1 [sflag:s0], $0x4E20  }
0x30: {  	[sflag:s0] =	ssyncset.done @!p1 $0x0  }
0x31: {  	[sflag:s0] =	ssyncadd.s32 @!p1 $0xFFFFB1E0  }
.LBB2_1:
0x32: {  	s0 =	simm.s32 $0x40;
	s5 =	simm.s32 $0x0  }
.LBB2_2:
0x33: {  	p2 =	sne.s32 s0, $0x9C40;
	[tilespmem:s5+$0xBF00] =	vst v0;
	s5 =	smov.u32 s0;
	s0 =	sadd.s32 $0x40, s0  }
.Ltmp2:
0x34: {  	(pc) =	sbr.rel @p2 .LBB2_2-.Ltmp2, $2  }
0x35: {  	_ =	sdelay $0x2  }
0x36: {  	s5 =	sshra.s32 s5, $0x2  }
0x37: {  	[tilespmem:s5+$0xBF00] =	vst v0;
	s0 =	simm.s32 $0xBF00  }
0x38: {  	[spmem:s4] =	stream.linear.scatter [tilespmem:s0], [sflag:$0x3], $0x2720, $0x38;
	[tilespmem:$0x10D40] =	vst v63  }
.Ltmp3:
0x39: {  	_ =	swait.ge [sflag:s12], $0x2720;
	(pc) =	sbr.rel @!p0 .LBB2_4-.Ltmp3, $4  }
0x3a: {  	[sflag:s12] =	ssyncset.done $0x0  }
0x3b: {  	[sflag:s12] =	ssyncadd.s32 $0xFFFFD8E0  }
0x3c: {  	[bflag:$0x0] =	sbarrier.arrive $0xFFFF  }
0x3d: {  	s31 =	simm.s32 $0x0  }
0x3e: {  	[tilespmem:s31], [sflag:$0x3] =	stream.linear.gather [hbm4b:s7+s31], $0x880, $0x38;
	[tilespmem:$0x10D40] =	vst v63  }
0x3f: {  	_ =	swait.ge [sflag:s12], $0x880  }
0x40: {  	[sflag:s12] =	ssyncset.done $0x0  }
0x41: {  	s0 =	simm.s32 $0x1F80;
	[sflag:s12] =	ssyncadd.s32 $0xFFFFF780  }
0x42: {  	[tilespmem:s0], [sflag:$0x3] =	stream.linear.gather [hbm4b:s8+s31], $0x880, $0x38;
	[tilespmem:$0x10D40] =	vst v63  }
0x43: {  	_ =	swait.ge [sflag:s12], $0x880  }
0x44: {  	[sflag:s12] =	ssyncset.done $0x0  }
0x45: {  	[sflag:s12] =	ssyncadd.s32 $0xFFFFF780  }
0x46: {  	[tilespmem:s14], [sflag:$0x1] =	stream.indirect.gather [hbm4b:s3+s13], $0x10, s31, s13, $0xb8;
	[tilespmem:$0x10D40] =	vst v63  }
0x47: {  	_ = 	snop  }
0x48: {  	[tilespmem:s15], [sflag:$0x1] =	stream.indirect.gather [hbm4b:s3+s13], $0x10, s13, s13, $0xb8;
	[tilespmem:$0x10D40] =	vst v63  }
0x49: {  	_ = 	snop  }
0x4a: {  	[tilespmem:s17], [sflag:$0x1] =	stream.indirect.gather [hbm4b:s3+s13], $0x10, s16, s13, $0xb8;
	[tilespmem:$0x10D40] =	vst v63  }
0x4b: {  	_ = 	snop  }
0x4c: {  	[tilespmem:s19], [sflag:$0x1] =	stream.indirect.gather [hbm4b:s3+s13], $0x10, s18, s13, $0xb8;
	[tilespmem:$0x10D40] =	vst v63  }
0x4d: {  	_ = 	snop  }
0x4e: {  	[tilespmem:s21], [sflag:$0x1] =	stream.indirect.gather [hbm4b:s3+s13], $0x10, s20, s13, $0xb8;
	[tilespmem:$0x10D40] =	vst v63  }
0x4f: {  	_ = 	snop  }
0x50: {  	[tilespmem:s23], [sflag:$0x1] =	stream.indirect.gather [hbm4b:s3+s13], $0x10, s22, s13, $0xb8;
	[tilespmem:$0x10D40] =	vst v63  }
0x51: {  	_ = 	snop  }
0x52: {  	[tilespmem:s25], [sflag:$0x1] =	stream.indirect.gather [hbm4b:s3+s13], $0x10, s24, s13, $0xb8;
	[tilespmem:$0x10D40] =	vst v63  }
0x53: {  	s5 =	simm.s32 $0x4000;
	s11 =	simm.s32 $0x400  }
0x54: {  	[tilespmem:s28], [sflag:$0x1] =	stream.indirect.gather [hbm4b:s3+s13], $0x10, s26, s13, $0xb8;
	[tilespmem:$0x10D40] =	vst v63  }
.LBB2_7:
0x55: {  	s6 =	sadd.s32 $0xFFFFC000, s5;
	_ =	swait.ge [sflag:s29], $0x800  }
0x56: {  	s6 =	sand.u32 $0x7800, s6;
	[sflag:s29] =	ssyncset.done $0x0  }
0x57: {  	p2 =	slt.u32 s31, $0x8;
	s6 =	sadd.s32 $0x3F00, s6;
	[sflag:s29] =	ssyncadd.s32 $0xFFFFF800  }
0x58: {  	[spmem:s1] =	stream.indirect.scatter.add.f32 [tilespmem:s6], [sflag:$0x2], $0x10, s0, s13, $0xb8;
	[tilespmem:$0x10D40] =	vst v63  }
0x59: {  	s6 =	simm.s32 @!p2 $0x2  }
0x5a: {  	p3 =	sne.s32 @!p2 s5, $0x8000;
	_ =	swait.ge @!p2 [sflag:s6], $0x800  }
0x5b: {  	p3 =	por p2, !p3;
	[sflag:s6] =	ssyncset.done @!p2 $0x0  }
0x5c: {  	[sflag:s6] =	ssyncadd.s32 @!p2 $0xFFFFF800;
	s6 =	sand.u32 @p3 $0x7800, s5;
	s5 =	sadd.s32 $0x800, s5  }
0x5d: {  	p2 =	sne.s32 s5, $0xC800  }
.Ltmp4:
0x5e: {  	_ = 	snop;
	(pc) =	sbr.rel @p2 .LBB2_7-.Ltmp4, $4  }
0x5f: {  	_ = 	snop  }
0x60: {  	s6 =	sadd.s32 @p3 $0x3F00, s6  }
0x61: {  	[tilespmem:s6], [sflag:$0x1] =	stream.indirect.gather @p3 [hbm4b:s3+s13], $0x10, s11, s13, $0xb8;
	[tilespmem:$0x10D40] =	vst v63  }
0x62: {  	s31 =	sadd.s32 $0x1, s31;
	s0 =	sadd.s32 $0x80, s0;
	s11 =	sadd.s32 $0x80, s11  }
.Ltmp5:
0x63: {  	_ = 	snop;
	(pc) =	sbr.rel .LBB2_8-.Ltmp5, $1  }
0x64: {  	_ =	sdelay $0x3  }
.LBB2_4:
0x65: {  	s0 =	rddreg [dreg:$0x3]  }
0x66: {  	[tilespmem:s31], [sflag:$0x3] =	stream.linear.gather [hbm4b:s0+s31], $0x1F80, $0x38;
	[tilespmem:$0x10D40] =	vst v63  }
0x67: {  	_ =	swait.ge [sflag:s12], $0x1F80  }
0x68: {  	[sflag:s12] =	ssyncset.done $0x0  }
0x69: {  	s0 =	simm.s32 $0x1F80;
	s5 =	rddreg [dreg:$0x4];
	[sflag:s12] =	ssyncadd.s32 $0xFFFFE080  }
0x6a: {  	[tilespmem:s0], [sflag:$0x3] =	stream.linear.gather [hbm4b:s5+s31], $0x1F80, $0x38;
	[tilespmem:$0x10D40] =	vst v63  }
0x6b: {  	_ =	swait.ge [sflag:s12], $0x1F80  }
0x6c: {  	[sflag:s12] =	ssyncset.done $0x0  }
0x6d: {  	[sflag:s12] =	ssyncadd.s32 $0xFFFFE080  }
0x6e: {  	[tilespmem:s14], [sflag:$0x1] =	stream.indirect.gather [hbm4b:s3+s13], $0x10, s31, s13, $0xb8;
	[tilespmem:$0x10D40] =	vst v63  }
0x6f: {  	_ = 	snop  }
0x70: {  	[tilespmem:s15], [sflag:$0x1] =	stream.indirect.gather [hbm4b:s3+s13], $0x10, s13, s13, $0xb8;
	[tilespmem:$0x10D40] =	vst v63  }
0x71: {  	_ = 	snop  }
0x72: {  	[tilespmem:s17], [sflag:$0x1] =	stream.indirect.gather [hbm4b:s3+s13], $0x10, s16, s13, $0xb8;
	[tilespmem:$0x10D40] =	vst v63  }
0x73: {  	_ = 	snop  }
0x74: {  	[tilespmem:s19], [sflag:$0x1] =	stream.indirect.gather [hbm4b:s3+s13], $0x10, s18, s13, $0xb8;
	[tilespmem:$0x10D40] =	vst v63  }
0x75: {  	_ = 	snop  }
0x76: {  	[tilespmem:s21], [sflag:$0x1] =	stream.indirect.gather [hbm4b:s3+s13], $0x10, s20, s13, $0xb8;
	[tilespmem:$0x10D40] =	vst v63  }
0x77: {  	_ = 	snop  }
0x78: {  	[tilespmem:s23], [sflag:$0x1] =	stream.indirect.gather [hbm4b:s3+s13], $0x10, s22, s13, $0xb8;
	[tilespmem:$0x10D40] =	vst v63  }
0x79: {  	_ = 	snop  }
0x7a: {  	[tilespmem:s25], [sflag:$0x1] =	stream.indirect.gather [hbm4b:s3+s13], $0x10, s24, s13, $0xb8;
	[tilespmem:$0x10D40] =	vst v63  }
0x7b: {  	s11 =	simm.s32 $0x400;
	s5 =	simm.s32 $0x4000  }
0x7c: {  	[tilespmem:s28], [sflag:$0x1] =	stream.indirect.gather [hbm4b:s3+s13], $0x10, s26, s13, $0xb8;
	[tilespmem:$0x10D40] =	vst v63  }
.LBB2_5:
0x7d: {  	s6 =	sadd.s32 $0xFFFFC000, s5;
	_ =	swait.ge [sflag:s29], $0x800  }
0x7e: {  	s6 =	sand.u32 $0x7800, s6;
	[sflag:s29] =	ssyncset.done $0x0  }
0x7f: {  	p2 =	slt.u32 s31, $0x8;
	s6 =	sadd.s32 $0x3F00, s6;
	[sflag:s29] =	ssyncadd.s32 $0xFFFFF800  }
0x80: {  	[spmem:s1] =	stream.indirect.scatter.add.f32 [tilespmem:s6], [sflag:$0x2], $0x10, s0, s13, $0xb8;
	[tilespmem:$0x10D40] =	vst v63  }
0x81: {  	s6 =	simm.s32 @!p2 $0x2  }
0x82: {  	_ =	swait.ge @!p2 [sflag:s6], $0x800  }
0x83: {  	p3 =	sgt.u32 @!p2 s31, $0x36;
	s31 =	sadd.s32 $0x1, s31;
	[sflag:s6] =	ssyncset.done @!p2 $0x0  }
0x84: {  	p3 =	por p2, !p3;
	[sflag:s6] =	ssyncadd.s32 @!p2 $0xFFFFF800;
	p2 =	seq.s32 s31, $0x3F  }
.Ltmp6:
0x85: {  	_ = 	snop;
	(pc) =	sbr.rel @!p2 .LBB2_5-.Ltmp6, $4  }
0x86: {  	s6 =	sand.u32 @p3 $0x7800, s5  }
0x87: {  	s6 =	sadd.s32 @p3 $0x3F00, s6  }
0x88: {  	[tilespmem:s6], [sflag:$0x1] =	stream.indirect.gather @p3 [hbm4b:s3+s13], $0x10, s11, s13, $0xb8;
	[tilespmem:$0x10D40] =	vst v63  }
0x89: {  	s0 =	sadd.s32 $0x80, s0;
	s5 =	sadd.s32 $0x800, s5;
	s11 =	sadd.s32 $0x80, s11  }
.Ltmp7:
0x8a: {  	_ = 	snop;
	(pc) =	sbr.rel .LBB2_8-.Ltmp7, $1  }
0x8b: {  	_ =	sdelay $0x3  }
.LBB2_9:
0x8c: {  	_ =	sfence.sel $0x180000  }
0x8d: {  	[bflag:$0x0] =	sbarrier.arrive $0xFFFF  }
0x8e: {  	_ =	strace $0x9000004A  }
0x8f: {  	[bflag:$0x2] =	sbarrier.arrive $0xFFFF  }
0x90: {  	s0 =	rddreg [dreg:$0x2]  }
0x91: {  	s0 =	sadd.s32 @!p1 $0x100000, s0  }
0x92: {  	[sflag:s0] =	ssyncadd.tile.s32 @!p1 $0x1;
	_ =	shalt  }
.Lfunc_end2:
_tile_overlayer_lowered:
.L_overlay_start_2:
0x93: {  	(tag) =	ssettag $0x2  }
0x94: {  	s0 =	rddreg [dreg:$0x0];
	s2 =	stileid.u32  }
0x95: {  	s1 =	rddreg [dreg:$0x1];
	p0 =	sne.s32 s2, $0x0  }
0x96: {  	s3 =	rddreg [dreg:$0x2];
	[bflag:$0x3] =	sbarrier.arrive $0xFFFF;
	s2 =	simm.s32 @!p0 $0x1C03  }
0x97: {  	[timem:s3], [sflag:s2] =	dma.local @!p0 [hbm:s0], s1  }
0x98: {  	s0 =	simm.s32 @!p0 $0x3  }
0x99: {  	_ =	swait.ge @!p0 [sflag:s0], s1  }
0x9a: {  	s1 =	ssub.s32 @!p0 $0x0, s1;
	[sflag:s0] =	ssyncset.done @!p0 $0x0  }
0x9b: {  	[sflag:s0] =	ssyncadd.s32 @!p0 s1  }
0x9c: {  	[bflag:$0x3] =	sbarrier.arrive $0xFFFF  }
0x9d: {  	_ =	shalt  }

</sc_bundles>
